<compile_context>
chip_gen: v7x
topology: tpu7x:2x2x1
jax: 0.10.2.dev20260603
libtpu: 0.0.44.dev20260713+nightly
codegen_flags: <defaults>
</compile_context>

<pallas_src>
import functools

import jax
import jax.numpy as jnp
from jax import lax
from jax.experimental import pallas as pl
from jax.experimental.pallas import tpu as pltpu
from jax.experimental.pallas import tpu_sc as plsc

NC = 2
NS = 16
CH = 128


def _make_seg_sum(n, d, e):
    assert e % CH == 0
    nchunks = e // CH
    nworkers = NC * NS
    base_ch = nchunks // nworkers
    rem_ch = nchunks % nworkers
    rpt = (n // NS) & ~7
    tail = n - NS * rpt
    tail_off = NS * rpt
    assert tail % 8 == 0

    mesh = plsc.VectorSubcoreMesh(core_axis_name="c", subcore_axis_name="s",
                                  num_cores=NC, num_subcores=NS)

    @functools.partial(
        pl.kernel,
        out_type=jax.ShapeDtypeStruct((NC, n, d), jnp.float32),
        mesh=mesh,
        scratch_types=[
            pltpu.VMEM((CH,), jnp.int32),
            pltpu.VMEM((CH,), jnp.int32),
            pltpu.VMEM((CH, d), jnp.float32),
            pltpu.VMEM_SHARED((n, d), jnp.float32),
            pltpu.SemaphoreType.DMA,
        ],
    )
    def seg_sum(x_hbm, src_hbm, dst_hbm, zero_hbm, out_hbm,
                src_v, dst_v, rows_v, acc_sh, sem):
        c = lax.axis_index("c")
        s = lax.axis_index("s")
        wid = s * NC + c

        pltpu.sync_copy(zero_hbm.at[pl.ds(s * rpt, rpt)],
                        acc_sh.at[pl.ds(s * rpt, rpt)])
        if tail:
            @pl.when(s == 0)
            def _zero_tail():
                pltpu.sync_copy(zero_hbm.at[pl.ds(tail_off, tail)],
                                acc_sh.at[pl.ds(tail_off, tail)])
        plsc.subcore_barrier()

        nch = base_ch + jnp.where(wid < rem_ch, 1, 0)

        def body(j, carry):
            off = (j * nworkers + wid) * CH
            pltpu.sync_copy(src_hbm.at[pl.ds(off, CH)], src_v)
            pltpu.sync_copy(dst_hbm.at[pl.ds(off, CH)], dst_v)
            pltpu.async_copy(x_hbm.at[src_v], rows_v, sem).wait()
            pltpu.sync_copy(rows_v, acc_sh.at[dst_v], add=True)
            return carry

        lax.fori_loop(0, nch, body, 0)
        plsc.subcore_barrier()

        pltpu.sync_copy(acc_sh.at[pl.ds(s * rpt, rpt)],
                        out_hbm.at[c, pl.ds(s * rpt, rpt)])
        if tail:
            @pl.when(s == 0)
            def _write_tail():
                pltpu.sync_copy(acc_sh.at[pl.ds(tail_off, tail)],
                                out_hbm.at[c, pl.ds(tail_off, tail)])

    return seg_sum


def _mm_body(x_ref, p0_ref, p1_ref, w_ref, o_ref):
    m = x_ref[...] + p0_ref[...] + p1_ref[...]
    o_ref[...] = lax.dot_general(m, w_ref[...], (((1,), (1,)), ((), ())),
                                 preferred_element_type=jnp.float32)


def _fused_combine_matmul(x, p0, p1, w):
    n, d = x.shape
    blk = 1000
    assert n % blk == 0
    return pl.pallas_call(
        _mm_body,
        grid=(n // blk,),
        in_specs=[
            pl.BlockSpec((blk, d), lambda i: (i, 0)),
            pl.BlockSpec((blk, d), lambda i: (i, 0)),
            pl.BlockSpec((blk, d), lambda i: (i, 0)),
            pl.BlockSpec((d, d), lambda i: (0, 0)),
        ],
        out_specs=pl.BlockSpec((blk, d), lambda i: (i, 0)),
        out_shape=jax.ShapeDtypeStruct((n, d), jnp.float32),
    )(x, p0, p1, w)


def kernel(x, edge_index, W1, W2):
    n, d = x.shape
    e = edge_index.shape[1]
    src = edge_index[0]
    dst = edge_index[1]
    zero = jnp.zeros((n, d), jnp.float32)

    seg_sum = _make_seg_sum(n, d, e)
    p = seg_sum(x, src, dst, zero)
    h = _fused_combine_matmul(x, p[0], p[1], W1)
    q = seg_sum(h, src, dst, zero)
    out = _fused_combine_matmul(h, q[0], q[1], W2)
    return out

# --- scband reference (transcript-rebuilt; emitter-appended) ---
"""Pipeline reference for scband-gin-dgl-58377195487744 (READ-ONLY COPY).

The authoritative reference and input builder live on the scoring server;
editing this copy changes nothing except your own understanding.
"""

import jax, jax.numpy as jnp
import numpy as np

N = 10000
E = 320000
D_IN = 128
D_HID = 128
D_OUT = 128
EPS = 0.0


def setup_inputs(seed: int = 0) -> dict:
    key = jax.random.key(seed)
    k1, k2, k3, k4 = jax.random.split(key, 4)
    x = jax.random.normal(k1, (N, D_IN), dtype=jnp.float32)
    edge_index = jax.random.randint(k2, (2, E), 0, N, dtype=jnp.int32)
    # Linear(in, hidden, bias=False): torch-style weight [out, in]
    W1 = jax.random.normal(k3, (D_HID, D_IN), dtype=jnp.float32) * (1.0 / np.sqrt(D_IN))
    W2 = jax.random.normal(k4, (D_OUT, D_HID), dtype=jnp.float32) * (1.0 / np.sqrt(D_HID))
    return {"x": x, "edge_index": edge_index, "W1": W1, "W2": W2}


def _gin_conv(x, W, src, dst, eps):
    # DGL GINConv with 'sum' aggregator: h = apply_func((1+eps)*x + sum_{j in N(i)} x_j)
    msgs = jnp.take(x, src, axis=0)
    agg = jax.ops.segment_sum(msgs, dst, num_segments=N)
    h = (1.0 + eps) * x + agg
    return h @ W.T


def reference(x, edge_index, W1, W2):
    src = edge_index[0]
    dst = edge_index[1]
    h = _gin_conv(x, W1, src, dst, EPS)   # conv1, activation=None
    out = _gin_conv(h, W2, src, dst, EPS) # conv2, activation=None
    return out

if __name__ == "__main__":
    import jax
    _d = setup_inputs()
    print(jax.jit(kernel)(*tuple(_d.values())))

</pallas_src>

<mosaic_0001>
#map = affine_map<(d0, d1) -> (0, 0)>
#map1 = affine_map<(d0, d1) -> (0)>
#map2 = affine_map<(d0, d1) -> (0, 0, 0)>
module attributes {stable_mosaic.version = 14 : i64} {
  func.func @seg_sum(%arg0: i32, %arg1: i32, %arg2: memref<10000x128xf32, #tpu.memory_space<hbm>>, %arg3: memref<320000xi32, #tpu.memory_space<hbm>>, %arg4: memref<320000xi32, #tpu.memory_space<hbm>>, %arg5: memref<10000x128xf32, #tpu.memory_space<hbm>>, %arg6: memref<2x10000x128xf32, #tpu.memory_space<hbm>>, %arg7: memref<128xi32, #tpu.memory_space<vmem>>, %arg8: memref<128xi32, #tpu.memory_space<vmem>>, %arg9: memref<128x128xf32, #tpu.memory_space<vmem>>, %arg10: memref<10000x128xf32, #tpu.memory_space<vmem_shared>>, %arg11: memref<!tpu.dma_semaphore, #tpu.memory_space<semaphore_mem>>) attributes {dimension_semantics = [#tpu.dimension_semantics<core_parallel>, #tpu.dimension_semantics<subcore_parallel>], iteration_bounds = array<i64: 2, 16>, scalar_prefetch = 0 : i64, scratch_operands = 5 : i64, tpu.core_type = #tpu.core_type<sc_vector_subcore>, window_params = [{transform_indices = #map}, {transform_indices = #map1}, {transform_indices = #map1}, {transform_indices = #map}, {transform_indices = #map2}]} {
    %mul3A = arith.constant 2 : i32
    %mul3A_0 = arith.muli %arg1, %mul3A : i32
    %add3A = arith.addi %mul3A_0, %arg0 : i32
    %mul3A_1 = arith.constant 624 : i32
    %mul3A_2 = arith.muli %arg1, %mul3A_1 : i32
    %mul3A_3 = arith.constant 624 : i32
    %mul3A_4 = arith.muli %arg1, %mul3A_3 : i32
    "tpu.region"() ({
      %run_scoped3A = tpu.sem_alloc : memref<!tpu.dma_semaphore, #tpu.memory_space<semaphore_mem>>
      %dma_start3A = arith.constant 0 : i32
      %dma_start3A_30 = tpu.memref_slice %arg10[%mul3A_4, %dma_start3A] : memref<10000x128xf32, #tpu.memory_space<vmem_shared>> -> memref<624x128xf32, #tpu.memory_space<vmem_shared>>
      %dma_start3A_31 = arith.constant 0 : i32
      %dma_start3A_32 = tpu.memref_slice %arg5[%mul3A_2, %dma_start3A_31] : memref<10000x128xf32, #tpu.memory_space<hbm>> -> memref<624x128xf32, #tpu.memory_space<hbm>>
      tpu.enqueue_dma source(%dma_start3A_32 : memref<624x128xf32, #tpu.memory_space<hbm>>) target(%dma_start3A_30 : memref<624x128xf32, #tpu.memory_space<vmem_shared>>) target_semaphore(%run_scoped3A : memref<!tpu.dma_semaphore, #tpu.memory_space<semaphore_mem>>)
      %dma_wait3A = arith.constant 0 : i32
      %dma_wait3A_33 = tpu.memref_slice %arg10[%mul3A_4, %dma_wait3A] : memref<10000x128xf32, #tpu.memory_space<vmem_shared>> -> memref<624x128xf32, #tpu.memory_space<vmem_shared>>
      %dma_wait3A_34 = arith.constant 0 : i32
      %dma_wait3A_35 = tpu.memref_slice %arg5[%mul3A_2, %dma_wait3A_34] : memref<10000x128xf32, #tpu.memory_space<hbm>> -> memref<624x128xf32, #tpu.memory_space<hbm>>
      tpu.wait_dma2 semaphore(%run_scoped3A : memref<!tpu.dma_semaphore, #tpu.memory_space<semaphore_mem>>) src(%dma_wait3A_35 : memref<624x128xf32, #tpu.memory_space<hbm>>) dst(%dma_wait3A_33 : memref<624x128xf32, #tpu.memory_space<vmem_shared>>)
      tpu.yield
    }) : () -> ()
    %eq3A = arith.constant 0 : i32
    %eq3A_5 = arith.cmpi eq, %arg1, %eq3A : i32
    %convert_element_type3A = arith.extui %eq3A_5 : i1 to i32
    %cond3A = arith.constant 0 : i32
    %cond3A_6 = arith.cmpi ne, %convert_element_type3A, %cond3A : i32
    scf.if %cond3A_6 {
      "tpu.region"() ({
        %run_scoped3A = tpu.sem_alloc : memref<!tpu.dma_semaphore, #tpu.memory_space<semaphore_mem>>
        %dma_start3A = arith.constant 9984 : i32
        %dma_start3A_30 = arith.constant 0 : i32
        %dma_start3A_31 = tpu.memref_slice %arg10[%dma_start3A, %dma_start3A_30] : memref<10000x128xf32, #tpu.memory_space<vmem_shared>> -> memref<16x128xf32, #tpu.memory_space<vmem_shared>>
        %dma_start3A_32 = arith.constant 9984 : i32
        %dma_start3A_33 = arith.constant 0 : i32
        %dma_start3A_34 = tpu.memref_slice %arg5[%dma_start3A_32, %dma_start3A_33] : memref<10000x128xf32, #tpu.memory_space<hbm>> -> memref<16x128xf32, #tpu.memory_space<hbm>>
        tpu.enqueue_dma source(%dma_start3A_34 : memref<16x128xf32, #tpu.memory_space<hbm>>) target(%dma_start3A_31 : memref<16x128xf32, #tpu.memory_space<vmem_shared>>) target_semaphore(%run_scoped3A : memref<!tpu.dma_semaphore, #tpu.memory_space<semaphore_mem>>)
        %dma_wait3A = arith.constant 9984 : i32
        %dma_wait3A_35 = arith.constant 0 : i32
        %dma_wait3A_36 = tpu.memref_slice %arg10[%dma_wait3A, %dma_wait3A_35] : memref<10000x128xf32, #tpu.memory_space<vmem_shared>> -> memref<16x128xf32, #tpu.memory_space<vmem_shared>>
        %dma_wait3A_37 = arith.constant 9984 : i32
        %dma_wait3A_38 = arith.constant 0 : i32
        %dma_wait3A_39 = tpu.memref_slice %arg5[%dma_wait3A_37, %dma_wait3A_38] : memref<10000x128xf32, #tpu.memory_space<hbm>> -> memref<16x128xf32, #tpu.memory_space<hbm>>
        tpu.wait_dma2 semaphore(%run_scoped3A : memref<!tpu.dma_semaphore, #tpu.memory_space<semaphore_mem>>) src(%dma_wait3A_39 : memref<16x128xf32, #tpu.memory_space<hbm>>) dst(%dma_wait3A_36 : memref<16x128xf32, #tpu.memory_space<vmem_shared>>)
        tpu.yield
      }) : () -> ()
    } else {
    }
    %barrier3A = arith.constant 0 : index
    tpu.barrier barrier_id(%barrier3A)
    %lt3A = arith.constant 4 : i32
    %lt3A_7 = arith.cmpi slt, %add3A, %lt3A : i32
    %jit3A = arith.constant 1 : i32
    %jit3A_8 = arith.constant 0 : i32
    %select_n3A = arith.select %lt3A_7, %jit3A, %jit3A_8 : i32
    %add3A_9 = arith.constant 78 : i32
    %add3A_10 = arith.addi %add3A_9, %select_n3A : i32
    %while3A = arith.constant 0 : i32
    %while3A_11 = arith.constant 0 : i32
    %while3A_12 = arith.subi %add3A_10, %while3A_11 : i32
    %while3A_13 = arith.addi %while3A_11, %while3A_12 : i32
    %while3A_14 = arith.constant 1 : i32
    %while3A_15 = arith.divsi %while3A_12, %while3A_14 : i32
    %while3A_16 = arith.muli %while3A_15, %while3A_14 : i32
    %while3A_17 = arith.addi %while3A_11, %while3A_16 : i32
    %while3A_18 = arith.constant 1 : i32
    scf.for %while3A_30 = %while3A_11 to %while3A_17 step %while3A_18  : i32 {
      %mul3A_31 = arith.constant 32 : i32
      %mul3A_32 = arith.muli %while3A_30, %mul3A_31 : i32
      %add3A_33 = arith.addi %mul3A_32, %add3A : i32
      %mul3A_34 = arith.constant 128 : i32
      %mul3A_35 = arith.muli %add3A_33, %mul3A_34 : i32
      "tpu.region"() ({
        %run_scoped3A = tpu.sem_alloc : memref<!tpu.dma_semaphore, #tpu.memory_space<semaphore_mem>>
        %dma_start3A_40 = tpu.memref_slice %arg3[%mul3A_35] : memref<320000xi32, #tpu.memory_space<hbm>> -> memref<128xi32, #tpu.memory_space<hbm>>
        %dma_start3A_41 = tpu.memref_slice %arg3[%mul3A_35] : memref<320000xi32, #tpu.memory_space<hbm>> -> memref<128xi32, #tpu.memory_space<hbm>>
        tpu.enqueue_dma source(%dma_start3A_41 : memref<128xi32, #tpu.memory_space<hbm>>) target(%arg7 : memref<128xi32, #tpu.memory_space<vmem>>) target_semaphore(%run_scoped3A : memref<!tpu.dma_semaphore, #tpu.memory_space<semaphore_mem>>)
        %dma_wait3A_42 = tpu.memref_slice %arg3[%mul3A_35] : memref<320000xi32, #tpu.memory_space<hbm>> -> memref<128xi32, #tpu.memory_space<hbm>>
        %dma_wait3A_43 = tpu.memref_slice %arg3[%mul3A_35] : memref<320000xi32, #tpu.memory_space<hbm>> -> memref<128xi32, #tpu.memory_space<hbm>>
        tpu.wait_dma2 semaphore(%run_scoped3A : memref<!tpu.dma_semaphore, #tpu.memory_space<semaphore_mem>>) src(%dma_wait3A_43 : memref<128xi32, #tpu.memory_space<hbm>>) dst(%arg7 : memref<128xi32, #tpu.memory_space<vmem>>)
        tpu.yield
      }) : () -> ()
      "tpu.region"() ({
        %run_scoped3A = tpu.sem_alloc : memref<!tpu.dma_semaphore, #tpu.memory_space<semaphore_mem>>
        %dma_start3A_40 = tpu.memref_slice %arg4[%mul3A_35] : memref<320000xi32, #tpu.memory_space<hbm>> -> memref<128xi32, #tpu.memory_space<hbm>>
        %dma_start3A_41 = tpu.memref_slice %arg4[%mul3A_35] : memref<320000xi32, #tpu.memory_space<hbm>> -> memref<128xi32, #tpu.memory_space<hbm>>
        tpu.enqueue_dma source(%dma_start3A_41 : memref<128xi32, #tpu.memory_space<hbm>>) target(%arg8 : memref<128xi32, #tpu.memory_space<vmem>>) target_semaphore(%run_scoped3A : memref<!tpu.dma_semaphore, #tpu.memory_space<semaphore_mem>>)
        %dma_wait3A_42 = tpu.memref_slice %arg4[%mul3A_35] : memref<320000xi32, #tpu.memory_space<hbm>> -> memref<128xi32, #tpu.memory_space<hbm>>
        %dma_wait3A_43 = tpu.memref_slice %arg4[%mul3A_35] : memref<320000xi32, #tpu.memory_space<hbm>> -> memref<128xi32, #tpu.memory_space<hbm>>
        tpu.wait_dma2 semaphore(%run_scoped3A : memref<!tpu.dma_semaphore, #tpu.memory_space<semaphore_mem>>) src(%dma_wait3A_43 : memref<128xi32, #tpu.memory_space<hbm>>) dst(%arg8 : memref<128xi32, #tpu.memory_space<vmem>>)
        tpu.yield
      }) : () -> ()
      %dma_start3A = arith.constant 0 : i32
      %dma_start3A_36 = arith.constant 0 : i32
      %dma_start3A_37 = tpu.memref_slice %arg2[%dma_start3A, %dma_start3A_36] : memref<10000x128xf32, #tpu.memory_space<hbm>> -> memref<10000x128xf32, #tpu.memory_space<hbm>>
      tpu.enqueue_indirect_dma source(%dma_start3A_37 : memref<10000x128xf32, #tpu.memory_space<hbm>>) target(%arg9 : memref<128x128xf32, #tpu.memory_space<vmem>>) offsets(%arg7 : memref<128xi32, #tpu.memory_space<vmem>>) semaphore(%arg11 : memref<!tpu.dma_semaphore, #tpu.memory_space<semaphore_mem>>)
      %dma_wait3A = arith.constant 0 : i32
      %dma_wait3A_38 = arith.constant 0 : i32
      %dma_wait3A_39 = tpu.memref_slice %arg2[%dma_wait3A, %dma_wait3A_38] : memref<10000x128xf32, #tpu.memory_space<hbm>> -> memref<10000x128xf32, #tpu.memory_space<hbm>>
      tpu.wait_indirect_dma semaphore(%arg11 : memref<!tpu.dma_semaphore, #tpu.memory_space<semaphore_mem>>) src(%dma_wait3A_39 : memref<10000x128xf32, #tpu.memory_space<hbm>>) dst(%arg9 : memref<128x128xf32, #tpu.memory_space<vmem>>)
      "tpu.region"() ({
        %run_scoped3A = tpu.sem_alloc : memref<!tpu.dma_semaphore, #tpu.memory_space<semaphore_mem>>
        %dma_start3A_40 = arith.constant 0 : i32
        %dma_start3A_41 = arith.constant 0 : i32
        %dma_start3A_42 = tpu.memref_slice %arg10[%dma_start3A_40, %dma_start3A_41] : memref<10000x128xf32, #tpu.memory_space<vmem_shared>> -> memref<10000x128xf32, #tpu.memory_space<vmem_shared>>
        tpu.enqueue_indirect_dma source(%arg9 : memref<128x128xf32, #tpu.memory_space<vmem>>) target(%dma_start3A_42 : memref<10000x128xf32, #tpu.memory_space<vmem_shared>>) offsets(%arg8 : memref<128xi32, #tpu.memory_space<vmem>>) semaphore(%run_scoped3A : memref<!tpu.dma_semaphore, #tpu.memory_space<semaphore_mem>>) {add = true}
        %dma_wait3A_43 = arith.constant 0 : i32
        %dma_wait3A_44 = arith.constant 0 : i32
        %dma_wait3A_45 = tpu.memref_slice %arg10[%dma_wait3A_43, %dma_wait3A_44] : memref<10000x128xf32, #tpu.memory_space<vmem_shared>> -> memref<10000x128xf32, #tpu.memory_space<vmem_shared>>
        tpu.wait_indirect_dma semaphore(%run_scoped3A : memref<!tpu.dma_semaphore, #tpu.memory_space<semaphore_mem>>) src(%arg9 : memref<128x128xf32, #tpu.memory_space<vmem>>) dst(%dma_wait3A_45 : memref<10000x128xf32, #tpu.memory_space<vmem_shared>>)
        tpu.yield
      }) : () -> ()
    }
    %while3A_19 = arith.constant 1 : i32
    scf.for %while3A_30 = %while3A_17 to %while3A_13 step %while3A_19  : i32 {
      %mul3A_31 = arith.constant 32 : i32
      %mul3A_32 = arith.muli %while3A_30, %mul3A_31 : i32
      %add3A_33 = arith.addi %mul3A_32, %add3A : i32
      %mul3A_34 = arith.constant 128 : i32
      %mul3A_35 = arith.muli %add3A_33, %mul3A_34 : i32
      "tpu.region"() ({
        %run_scoped3A = tpu.sem_alloc : memref<!tpu.dma_semaphore, #tpu.memory_space<semaphore_mem>>
        %dma_start3A_40 = tpu.memref_slice %arg3[%mul3A_35] : memref<320000xi32, #tpu.memory_space<hbm>> -> memref<128xi32, #tpu.memory_space<hbm>>
        %dma_start3A_41 = tpu.memref_slice %arg3[%mul3A_35] : memref<320000xi32, #tpu.memory_space<hbm>> -> memref<128xi32, #tpu.memory_space<hbm>>
        tpu.enqueue_dma source(%dma_start3A_41 : memref<128xi32, #tpu.memory_space<hbm>>) target(%arg7 : memref<128xi32, #tpu.memory_space<vmem>>) target_semaphore(%run_scoped3A : memref<!tpu.dma_semaphore, #tpu.memory_space<semaphore_mem>>)
        %dma_wait3A_42 = tpu.memref_slice %arg3[%mul3A_35] : memref<320000xi32, #tpu.memory_space<hbm>> -> memref<128xi32, #tpu.memory_space<hbm>>
        %dma_wait3A_43 = tpu.memref_slice %arg3[%mul3A_35] : memref<320000xi32, #tpu.memory_space<hbm>> -> memref<128xi32, #tpu.memory_space<hbm>>
        tpu.wait_dma2 semaphore(%run_scoped3A : memref<!tpu.dma_semaphore, #tpu.memory_space<semaphore_mem>>) src(%dma_wait3A_43 : memref<128xi32, #tpu.memory_space<hbm>>) dst(%arg7 : memref<128xi32, #tpu.memory_space<vmem>>)
        tpu.yield
      }) : () -> ()
      "tpu.region"() ({
        %run_scoped3A = tpu.sem_alloc : memref<!tpu.dma_semaphore, #tpu.memory_space<semaphore_mem>>
        %dma_start3A_40 = tpu.memref_slice %arg4[%mul3A_35] : memref<320000xi32, #tpu.memory_space<hbm>> -> memref<128xi32, #tpu.memory_space<hbm>>
        %dma_start3A_41 = tpu.memref_slice %arg4[%mul3A_35] : memref<320000xi32, #tpu.memory_space<hbm>> -> memref<128xi32, #tpu.memory_space<hbm>>
        tpu.enqueue_dma source(%dma_start3A_41 : memref<128xi32, #tpu.memory_space<hbm>>) target(%arg8 : memref<128xi32, #tpu.memory_space<vmem>>) target_semaphore(%run_scoped3A : memref<!tpu.dma_semaphore, #tpu.memory_space<semaphore_mem>>)
        %dma_wait3A_42 = tpu.memref_slice %arg4[%mul3A_35] : memref<320000xi32, #tpu.memory_space<hbm>> -> memref<128xi32, #tpu.memory_space<hbm>>
        %dma_wait3A_43 = tpu.memref_slice %arg4[%mul3A_35] : memref<320000xi32, #tpu.memory_space<hbm>> -> memref<128xi32, #tpu.memory_space<hbm>>
        tpu.wait_dma2 semaphore(%run_scoped3A : memref<!tpu.dma_semaphore, #tpu.memory_space<semaphore_mem>>) src(%dma_wait3A_43 : memref<128xi32, #tpu.memory_space<hbm>>) dst(%arg8 : memref<128xi32, #tpu.memory_space<vmem>>)
        tpu.yield
      }) : () -> ()
      %dma_start3A = arith.constant 0 : i32
      %dma_start3A_36 = arith.constant 0 : i32
      %dma_start3A_37 = tpu.memref_slice %arg2[%dma_start3A, %dma_start3A_36] : memref<10000x128xf32, #tpu.memory_space<hbm>> -> memref<10000x128xf32, #tpu.memory_space<hbm>>
      tpu.enqueue_indirect_dma source(%dma_start3A_37 : memref<10000x128xf32, #tpu.memory_space<hbm>>) target(%arg9 : memref<128x128xf32, #tpu.memory_space<vmem>>) offsets(%arg7 : memref<128xi32, #tpu.memory_space<vmem>>) semaphore(%arg11 : memref<!tpu.dma_semaphore, #tpu.memory_space<semaphore_mem>>)
      %dma_wait3A = arith.constant 0 : i32
      %dma_wait3A_38 = arith.constant 0 : i32
      %dma_wait3A_39 = tpu.memref_slice %arg2[%dma_wait3A, %dma_wait3A_38] : memref<10000x128xf32, #tpu.memory_space<hbm>> -> memref<10000x128xf32, #tpu.memory_space<hbm>>
      tpu.wait_indirect_dma semaphore(%arg11 : memref<!tpu.dma_semaphore, #tpu.memory_space<semaphore_mem>>) src(%dma_wait3A_39 : memref<10000x128xf32, #tpu.memory_space<hbm>>) dst(%arg9 : memref<128x128xf32, #tpu.memory_space<vmem>>)
      "tpu.region"() ({
        %run_scoped3A = tpu.sem_alloc : memref<!tpu.dma_semaphore, #tpu.memory_space<semaphore_mem>>
        %dma_start3A_40 = arith.constant 0 : i32
        %dma_start3A_41 = arith.constant 0 : i32
        %dma_start3A_42 = tpu.memref_slice %arg10[%dma_start3A_40, %dma_start3A_41] : memref<10000x128xf32, #tpu.memory_space<vmem_shared>> -> memref<10000x128xf32, #tpu.memory_space<vmem_shared>>
        tpu.enqueue_indirect_dma source(%arg9 : memref<128x128xf32, #tpu.memory_space<vmem>>) target(%dma_start3A_42 : memref<10000x128xf32, #tpu.memory_space<vmem_shared>>) offsets(%arg8 : memref<128xi32, #tpu.memory_space<vmem>>) semaphore(%run_scoped3A : memref<!tpu.dma_semaphore, #tpu.memory_space<semaphore_mem>>) {add = true}
        %dma_wait3A_43 = arith.constant 0 : i32
        %dma_wait3A_44 = arith.constant 0 : i32
        %dma_wait3A_45 = tpu.memref_slice %arg10[%dma_wait3A_43, %dma_wait3A_44] : memref<10000x128xf32, #tpu.memory_space<vmem_shared>> -> memref<10000x128xf32, #tpu.memory_space<vmem_shared>>
        tpu.wait_indirect_dma semaphore(%run_scoped3A : memref<!tpu.dma_semaphore, #tpu.memory_space<semaphore_mem>>) src(%arg9 : memref<128x128xf32, #tpu.memory_space<vmem>>) dst(%dma_wait3A_45 : memref<10000x128xf32, #tpu.memory_space<vmem_shared>>)
        tpu.yield
      }) : () -> ()
    }
    %barrier3A_20 = arith.constant 0 : index
    tpu.barrier barrier_id(%barrier3A_20)
    %mul3A_21 = arith.constant 624 : i32
    %mul3A_22 = arith.muli %arg1, %mul3A_21 : i32
    %mul3A_23 = arith.constant 624 : i32
    %mul3A_24 = arith.muli %arg1, %mul3A_23 : i32
    "tpu.region"() ({
      %run_scoped3A = tpu.sem_alloc : memref<!tpu.dma_semaphore, #tpu.memory_space<semaphore_mem>>
      %dma_start3A = arith.constant 0 : i32
      %dma_start3A_30 = tpu.memref_slice %arg6[%arg0, %mul3A_24, %dma_start3A] : memref<2x10000x128xf32, #tpu.memory_space<hbm>> -> memref<1x624x128xf32, #tpu.memory_space<hbm>>
      %dma_start3A_31 = tpu.memref_squeeze %dma_start3A_30 : memref<1x624x128xf32, #tpu.memory_space<hbm>> -> memref<624x128xf32, #tpu.memory_space<hbm>>
      %dma_start3A_32 = arith.constant 0 : i32
      %dma_start3A_33 = tpu.memref_slice %arg10[%mul3A_22, %dma_start3A_32] : memref<10000x128xf32, #tpu.memory_space<vmem_shared>> -> memref<624x128xf32, #tpu.memory_space<vmem_shared>>
      tpu.enqueue_dma source(%dma_start3A_33 : memref<624x128xf32, #tpu.memory_space<vmem_shared>>) target(%dma_start3A_31 : memref<624x128xf32, #tpu.memory_space<hbm>>) target_semaphore(%run_scoped3A : memref<!tpu.dma_semaphore, #tpu.memory_space<semaphore_mem>>)
      %dma_wait3A = arith.constant 0 : i32
      %dma_wait3A_34 = tpu.memref_slice %arg6[%arg0, %mul3A_24, %dma_wait3A] : memref<2x10000x128xf32, #tpu.memory_space<hbm>> -> memref<1x624x128xf32, #tpu.memory_space<hbm>>
      %dma_wait3A_35 = tpu.memref_squeeze %dma_wait3A_34 : memref<1x624x128xf32, #tpu.memory_space<hbm>> -> memref<624x128xf32, #tpu.memory_space<hbm>>
      %dma_wait3A_36 = arith.constant 0 : i32
      %dma_wait3A_37 = tpu.memref_slice %arg10[%mul3A_22, %dma_wait3A_36] : memref<10000x128xf32, #tpu.memory_space<vmem_shared>> -> memref<624x128xf32, #tpu.memory_space<vmem_shared>>
      tpu.wait_dma2 semaphore(%run_scoped3A : memref<!tpu.dma_semaphore, #tpu.memory_space<semaphore_mem>>) src(%dma_wait3A_37 : memref<624x128xf32, #tpu.memory_space<vmem_shared>>) dst(%dma_wait3A_35 : memref<624x128xf32, #tpu.memory_space<hbm>>)
      tpu.yield
    }) : () -> ()
    %eq3A_25 = arith.constant 0 : i32
    %eq3A_26 = arith.cmpi eq, %arg1, %eq3A_25 : i32
    %convert_element_type3A_27 = arith.extui %eq3A_26 : i1 to i32
    %cond3A_28 = arith.constant 0 : i32
    %cond3A_29 = arith.cmpi ne, %convert_element_type3A_27, %cond3A_28 : i32
    scf.if %cond3A_29 {
      "tpu.region"() ({
        %run_scoped3A = tpu.sem_alloc : memref<!tpu.dma_semaphore, #tpu.memory_space<semaphore_mem>>
        %dma_start3A = arith.constant 9984 : i32
        %dma_start3A_30 = arith.constant 0 : i32
        %dma_start3A_31 = tpu.memref_slice %arg6[%arg0, %dma_start3A, %dma_start3A_30] : memref<2x10000x128xf32, #tpu.memory_space<hbm>> -> memref<1x16x128xf32, #tpu.memory_space<hbm>>
        %dma_start3A_32 = tpu.memref_squeeze %dma_start3A_31 : memref<1x16x128xf32, #tpu.memory_space<hbm>> -> memref<16x128xf32, #tpu.memory_space<hbm>>
        %dma_start3A_33 = arith.constant 9984 : i32
        %dma_start3A_34 = arith.constant 0 : i32
        %dma_start3A_35 = tpu.memref_slice %arg10[%dma_start3A_33, %dma_start3A_34] : memref<10000x128xf32, #tpu.memory_space<vmem_shared>> -> memref<16x128xf32, #tpu.memory_space<vmem_shared>>
        tpu.enqueue_dma source(%dma_start3A_35 : memref<16x128xf32, #tpu.memory_space<vmem_shared>>) target(%dma_start3A_32 : memref<16x128xf32, #tpu.memory_space<hbm>>) target_semaphore(%run_scoped3A : memref<!tpu.dma_semaphore, #tpu.memory_space<semaphore_mem>>)
        %dma_wait3A = arith.constant 9984 : i32
        %dma_wait3A_36 = arith.constant 0 : i32
        %dma_wait3A_37 = tpu.memref_slice %arg6[%arg0, %dma_wait3A, %dma_wait3A_36] : memref<2x10000x128xf32, #tpu.memory_space<hbm>> -> memref<1x16x128xf32, #tpu.memory_space<hbm>>
        %dma_wait3A_38 = tpu.memref_squeeze %dma_wait3A_37 : memref<1x16x128xf32, #tpu.memory_space<hbm>> -> memref<16x128xf32, #tpu.memory_space<hbm>>
        %dma_wait3A_39 = arith.constant 9984 : i32
        %dma_wait3A_40 = arith.constant 0 : i32
        %dma_wait3A_41 = tpu.memref_slice %arg10[%dma_wait3A_39, %dma_wait3A_40] : memref<10000x128xf32, #tpu.memory_space<vmem_shared>> -> memref<16x128xf32, #tpu.memory_space<vmem_shared>>
        tpu.wait_dma2 semaphore(%run_scoped3A : memref<!tpu.dma_semaphore, #tpu.memory_space<semaphore_mem>>) src(%dma_wait3A_41 : memref<16x128xf32, #tpu.memory_space<vmem_shared>>) dst(%dma_wait3A_38 : memref<16x128xf32, #tpu.memory_space<hbm>>)
        tpu.yield
      }) : () -> ()
    } else {
    }
    return
  }
}

#map = affine_map<(d0, d1) -> (0, 0)>
#map1 = affine_map<(d0, d1) -> (0)>
#map2 = affine_map<(d0, d1) -> (0, 0, 0)>
module attributes {stable_mosaic.version = 14 : i64} {
  func.func @seg_sum(%arg0: i32, %arg1: i32, %arg2: memref<10000x128xf32, #tpu.memory_space<hbm>>, %arg3: memref<320000xi32, #tpu.memory_space<hbm>>, %arg4: memref<320000xi32, #tpu.memory_space<hbm>>, %arg5: memref<10000x128xf32, #tpu.memory_space<hbm>>, %arg6: memref<2x10000x128xf32, #tpu.memory_space<hbm>>, %arg7: memref<128xi32, #tpu.memory_space<vmem>>, %arg8: memref<128xi32, #tpu.memory_space<vmem>>, %arg9: memref<128x128xf32, #tpu.memory_space<vmem>>, %arg10: memref<10000x128xf32, #tpu.memory_space<vmem_shared>>, %arg11: memref<!tpu.dma_semaphore, #tpu.memory_space<semaphore_mem>>) attributes {dimension_semantics = [#tpu.dimension_semantics<core_parallel>, #tpu.dimension_semantics<subcore_parallel>], iteration_bounds = array<i64: 2, 16>, scalar_prefetch = 0 : i64, scratch_operands = 5 : i64, tpu.core_type = #tpu.core_type<sc_vector_subcore>, window_params = [{transform_indices = #map}, {transform_indices = #map1}, {transform_indices = #map1}, {transform_indices = #map}, {transform_indices = #map2}]} {
    %mul3A = arith.constant 2 : i32
    %mul3A_0 = arith.muli %arg1, %mul3A : i32
    %add3A = arith.addi %mul3A_0, %arg0 : i32
    %mul3A_1 = arith.constant 624 : i32
    %mul3A_2 = arith.muli %arg1, %mul3A_1 : i32
    %mul3A_3 = arith.constant 624 : i32
    %mul3A_4 = arith.muli %arg1, %mul3A_3 : i32
    "tpu.region"() ({
      %run_scoped3A = tpu.sem_alloc : memref<!tpu.dma_semaphore, #tpu.memory_space<semaphore_mem>>
      %dma_start3A = arith.constant 0 : i32
      %dma_start3A_30 = tpu.memref_slice %arg10[%mul3A_4, %dma_start3A] : memref<10000x128xf32, #tpu.memory_space<vmem_shared>> -> memref<624x128xf32, #tpu.memory_space<vmem_shared>>
      %dma_start3A_31 = arith.constant 0 : i32
      %dma_start3A_32 = tpu.memref_slice %arg5[%mul3A_2, %dma_start3A_31] : memref<10000x128xf32, #tpu.memory_space<hbm>> -> memref<624x128xf32, #tpu.memory_space<hbm>>
      tpu.enqueue_dma source(%dma_start3A_32 : memref<624x128xf32, #tpu.memory_space<hbm>>) target(%dma_start3A_30 : memref<624x128xf32, #tpu.memory_space<vmem_shared>>) target_semaphore(%run_scoped3A : memref<!tpu.dma_semaphore, #tpu.memory_space<semaphore_mem>>)
      %dma_wait3A = arith.constant 0 : i32
      %dma_wait3A_33 = tpu.memref_slice %arg10[%mul3A_4, %dma_wait3A] : memref<10000x128xf32, #tpu.memory_space<vmem_shared>> -> memref<624x128xf32, #tpu.memory_space<vmem_shared>>
      %dma_wait3A_34 = arith.constant 0 : i32
      %dma_wait3A_35 = tpu.memref_slice %arg5[%mul3A_2, %dma_wait3A_34] : memref<10000x128xf32, #tpu.memory_space<hbm>> -> memref<624x128xf32, #tpu.memory_space<hbm>>
      tpu.wait_dma2 semaphore(%run_scoped3A : memref<!tpu.dma_semaphore, #tpu.memory_space<semaphore_mem>>) src(%dma_wait3A_35 : memref<624x128xf32, #tpu.memory_space<hbm>>) dst(%dma_wait3A_33 : memref<624x128xf32, #tpu.memory_space<vmem_shared>>)
      tpu.yield
    }) : () -> ()
    %eq3A = arith.constant 0 : i32
    %eq3A_5 = arith.cmpi eq, %arg1, %eq3A : i32
    %convert_element_type3A = arith.extui %eq3A_5 : i1 to i32
    %cond3A = arith.constant 0 : i32
    %cond3A_6 = arith.cmpi ne, %convert_element_type3A, %cond3A : i32
    scf.if %cond3A_6 {
      "tpu.region"() ({
        %run_scoped3A = tpu.sem_alloc : memref<!tpu.dma_semaphore, #tpu.memory_space<semaphore_mem>>
        %dma_start3A = arith.constant 9984 : i32
        %dma_start3A_30 = arith.constant 0 : i32
        %dma_start3A_31 = tpu.memref_slice %arg10[%dma_start3A, %dma_start3A_30] : memref<10000x128xf32, #tpu.memory_space<vmem_shared>> -> memref<16x128xf32, #tpu.memory_space<vmem_shared>>
        %dma_start3A_32 = arith.constant 9984 : i32
        %dma_start3A_33 = arith.constant 0 : i32
        %dma_start3A_34 = tpu.memref_slice %arg5[%dma_start3A_32, %dma_start3A_33] : memref<10000x128xf32, #tpu.memory_space<hbm>> -> memref<16x128xf32, #tpu.memory_space<hbm>>
        tpu.enqueue_dma source(%dma_start3A_34 : memref<16x128xf32, #tpu.memory_space<hbm>>) target(%dma_start3A_31 : memref<16x128xf32, #tpu.memory_space<vmem_shared>>) target_semaphore(%run_scoped3A : memref<!tpu.dma_semaphore, #tpu.memory_space<semaphore_mem>>)
        %dma_wait3A = arith.constant 9984 : i32
        %dma_wait3A_35 = arith.constant 0 : i32
        %dma_wait3A_36 = tpu.memref_slice %arg10[%dma_wait3A, %dma_wait3A_35] : memref<10000x128xf32, #tpu.memory_space<vmem_shared>> -> memref<16x128xf32, #tpu.memory_space<vmem_shared>>
        %dma_wait3A_37 = arith.constant 9984 : i32
        %dma_wait3A_38 = arith.constant 0 : i32
        %dma_wait3A_39 = tpu.memref_slice %arg5[%dma_wait3A_37, %dma_wait3A_38] : memref<10000x128xf32, #tpu.memory_space<hbm>> -> memref<16x128xf32, #tpu.memory_space<hbm>>
        tpu.wait_dma2 semaphore(%run_scoped3A : memref<!tpu.dma_semaphore, #tpu.memory_space<semaphore_mem>>) src(%dma_wait3A_39 : memref<16x128xf32, #tpu.memory_space<hbm>>) dst(%dma_wait3A_36 : memref<16x128xf32, #tpu.memory_space<vmem_shared>>)
        tpu.yield
      }) : () -> ()
    } else {
    }
    %barrier3A = arith.constant 0 : index
    tpu.barrier barrier_id(%barrier3A)
    %lt3A = arith.constant 4 : i32
    %lt3A_7 = arith.cmpi slt, %add3A, %lt3A : i32
    %jit3A = arith.constant 1 : i32
    %jit3A_8 = arith.constant 0 : i32
    %select_n3A = arith.select %lt3A_7, %jit3A, %jit3A_8 : i32
    %add3A_9 = arith.constant 78 : i32
    %add3A_10 = arith.addi %add3A_9, %select_n3A : i32
    %while3A = arith.constant 0 : i32
    %while3A_11 = arith.constant 0 : i32
    %while3A_12 = arith.subi %add3A_10, %while3A_11 : i32
    %while3A_13 = arith.addi %while3A_11, %while3A_12 : i32
    %while3A_14 = arith.constant 1 : i32
    %while3A_15 = arith.divsi %while3A_12, %while3A_14 : i32
    %while3A_16 = arith.muli %while3A_15, %while3A_14 : i32
    %while3A_17 = arith.addi %while3A_11, %while3A_16 : i32
    %while3A_18 = arith.constant 1 : i32
    scf.for %while3A_30 = %while3A_11 to %while3A_17 step %while3A_18  : i32 {
      %mul3A_31 = arith.constant 32 : i32
      %mul3A_32 = arith.muli %while3A_30, %mul3A_31 : i32
      %add3A_33 = arith.addi %mul3A_32, %add3A : i32
      %mul3A_34 = arith.constant 128 : i32
      %mul3A_35 = arith.muli %add3A_33, %mul3A_34 : i32
      "tpu.region"() ({
        %run_scoped3A = tpu.sem_alloc : memref<!tpu.dma_semaphore, #tpu.memory_space<semaphore_mem>>
        %dma_start3A_40 = tpu.memref_slice %arg3[%mul3A_35] : memref<320000xi32, #tpu.memory_space<hbm>> -> memref<128xi32, #tpu.memory_space<hbm>>
        %dma_start3A_41 = tpu.memref_slice %arg3[%mul3A_35] : memref<320000xi32, #tpu.memory_space<hbm>> -> memref<128xi32, #tpu.memory_space<hbm>>
        tpu.enqueue_dma source(%dma_start3A_41 : memref<128xi32, #tpu.memory_space<hbm>>) target(%arg7 : memref<128xi32, #tpu.memory_space<vmem>>) target_semaphore(%run_scoped3A : memref<!tpu.dma_semaphore, #tpu.memory_space<semaphore_mem>>)
        %dma_wait3A_42 = tpu.memref_slice %arg3[%mul3A_35] : memref<320000xi32, #tpu.memory_space<hbm>> -> memref<128xi32, #tpu.memory_space<hbm>>
        %dma_wait3A_43 = tpu.memref_slice %arg3[%mul3A_35] : memref<320000xi32, #tpu.memory_space<hbm>> -> memref<128xi32, #tpu.memory_space<hbm>>
        tpu.wait_dma2 semaphore(%run_scoped3A : memref<!tpu.dma_semaphore, #tpu.memory_space<semaphore_mem>>) src(%dma_wait3A_43 : memref<128xi32, #tpu.memory_space<hbm>>) dst(%arg7 : memref<128xi32, #tpu.memory_space<vmem>>)
        tpu.yield
      }) : () -> ()
      "tpu.region"() ({
        %run_scoped3A = tpu.sem_alloc : memref<!tpu.dma_semaphore, #tpu.memory_space<semaphore_mem>>
        %dma_start3A_40 = tpu.memref_slice %arg4[%mul3A_35] : memref<320000xi32, #tpu.memory_space<hbm>> -> memref<128xi32, #tpu.memory_space<hbm>>
        %dma_start3A_41 = tpu.memref_slice %arg4[%mul3A_35] : memref<320000xi32, #tpu.memory_space<hbm>> -> memref<128xi32, #tpu.memory_space<hbm>>
        tpu.enqueue_dma source(%dma_start3A_41 : memref<128xi32, #tpu.memory_space<hbm>>) target(%arg8 : memref<128xi32, #tpu.memory_space<vmem>>) target_semaphore(%run_scoped3A : memref<!tpu.dma_semaphore, #tpu.memory_space<semaphore_mem>>)
        %dma_wait3A_42 = tpu.memref_slice %arg4[%mul3A_35] : memref<320000xi32, #tpu.memory_space<hbm>> -> memref<128xi32, #tpu.memory_space<hbm>>
        %dma_wait3A_43 = tpu.memref_slice %arg4[%mul3A_35] : memref<320000xi32, #tpu.memory_space<hbm>> -> memref<128xi32, #tpu.memory_space<hbm>>
        tpu.wait_dma2 semaphore(%run_scoped3A : memref<!tpu.dma_semaphore, #tpu.memory_space<semaphore_mem>>) src(%dma_wait3A_43 : memref<128xi32, #tpu.memory_space<hbm>>) dst(%arg8 : memref<128xi32, #tpu.memory_space<vmem>>)
        tpu.yield
      }) : () -> ()
      %dma_start3A = arith.constant 0 : i32
      %dma_start3A_36 = arith.constant 0 : i32
      %dma_start3A_37 = tpu.memref_slice %arg2[%dma_start3A, %dma_start3A_36] : memref<10000x128xf32, #tpu.memory_space<hbm>> -> memref<10000x128xf32, #tpu.memory_space<hbm>>
      tpu.enqueue_indirect_dma source(%dma_start3A_37 : memref<10000x128xf32, #tpu.memory_space<hbm>>) target(%arg9 : memref<128x128xf32, #tpu.memory_space<vmem>>) offsets(%arg7 : memref<128xi32, #tpu.memory_space<vmem>>) semaphore(%arg11 : memref<!tpu.dma_semaphore, #tpu.memory_space<semaphore_mem>>)
      %dma_wait3A = arith.constant 0 : i32
      %dma_wait3A_38 = arith.constant 0 : i32
      %dma_wait3A_39 = tpu.memref_slice %arg2[%dma_wait3A, %dma_wait3A_38] : memref<10000x128xf32, #tpu.memory_space<hbm>> -> memref<10000x128xf32, #tpu.memory_space<hbm>>
      tpu.wait_indirect_dma semaphore(%arg11 : memref<!tpu.dma_semaphore, #tpu.memory_space<semaphore_mem>>) src(%dma_wait3A_39 : memref<10000x128xf32, #tpu.memory_space<hbm>>) dst(%arg9 : memref<128x128xf32, #tpu.memory_space<vmem>>)
      "tpu.region"() ({
        %run_scoped3A = tpu.sem_alloc : memref<!tpu.dma_semaphore, #tpu.memory_space<semaphore_mem>>
        %dma_start3A_40 = arith.constant 0 : i32
        %dma_start3A_41 = arith.constant 0 : i32
        %dma_start3A_42 = tpu.memref_slice %arg10[%dma_start3A_40, %dma_start3A_41] : memref<10000x128xf32, #tpu.memory_space<vmem_shared>> -> memref<10000x128xf32, #tpu.memory_space<vmem_shared>>
        tpu.enqueue_indirect_dma source(%arg9 : memref<128x128xf32, #tpu.memory_space<vmem>>) target(%dma_start3A_42 : memref<10000x128xf32, #tpu.memory_space<vmem_shared>>) offsets(%arg8 : memref<128xi32, #tpu.memory_space<vmem>>) semaphore(%run_scoped3A : memref<!tpu.dma_semaphore, #tpu.memory_space<semaphore_mem>>) {add = true}
        %dma_wait3A_43 = arith.constant 0 : i32
        %dma_wait3A_44 = arith.constant 0 : i32
        %dma_wait3A_45 = tpu.memref_slice %arg10[%dma_wait3A_43, %dma_wait3A_44] : memref<10000x128xf32, #tpu.memory_space<vmem_shared>> -> memref<10000x128xf32, #tpu.memory_space<vmem_shared>>
        tpu.wait_indirect_dma semaphore(%run_scoped3A : memref<!tpu.dma_semaphore, #tpu.memory_space<semaphore_mem>>) src(%arg9 : memref<128x128xf32, #tpu.memory_space<vmem>>) dst(%dma_wait3A_45 : memref<10000x128xf32, #tpu.memory_space<vmem_shared>>)
        tpu.yield
      }) : () -> ()
    }
    %while3A_19 = arith.constant 1 : i32
    scf.for %while3A_30 = %while3A_17 to %while3A_13 step %while3A_19  : i32 {
      %mul3A_31 = arith.constant 32 : i32
      %mul3A_32 = arith.muli %while3A_30, %mul3A_31 : i32
      %add3A_33 = arith.addi %mul3A_32, %add3A : i32
      %mul3A_34 = arith.constant 128 : i32
      %mul3A_35 = arith.muli %add3A_33, %mul3A_34 : i32
      "tpu.region"() ({
        %run_scoped3A = tpu.sem_alloc : memref<!tpu.dma_semaphore, #tpu.memory_space<semaphore_mem>>
        %dma_start3A_40 = tpu.memref_slice %arg3[%mul3A_35] : memref<320000xi32, #tpu.memory_space<hbm>> -> memref<128xi32, #tpu.memory_space<hbm>>
        %dma_start3A_41 = tpu.memref_slice %arg3[%mul3A_35] : memref<320000xi32, #tpu.memory_space<hbm>> -> memref<128xi32, #tpu.memory_space<hbm>>
        tpu.enqueue_dma source(%dma_start3A_41 : memref<128xi32, #tpu.memory_space<hbm>>) target(%arg7 : memref<128xi32, #tpu.memory_space<vmem>>) target_semaphore(%run_scoped3A : memref<!tpu.dma_semaphore, #tpu.memory_space<semaphore_mem>>)
        %dma_wait3A_42 = tpu.memref_slice %arg3[%mul3A_35] : memref<320000xi32, #tpu.memory_space<hbm>> -> memref<128xi32, #tpu.memory_space<hbm>>
        %dma_wait3A_43 = tpu.memref_slice %arg3[%mul3A_35] : memref<320000xi32, #tpu.memory_space<hbm>> -> memref<128xi32, #tpu.memory_space<hbm>>
        tpu.wait_dma2 semaphore(%run_scoped3A : memref<!tpu.dma_semaphore, #tpu.memory_space<semaphore_mem>>) src(%dma_wait3A_43 : memref<128xi32, #tpu.memory_space<hbm>>) dst(%arg7 : memref<128xi32, #tpu.memory_space<vmem>>)
        tpu.yield
      }) : () -> ()
      "tpu.region"() ({
        %run_scoped3A = tpu.sem_alloc : memref<!tpu.dma_semaphore, #tpu.memory_space<semaphore_mem>>
        %dma_start3A_40 = tpu.memref_slice %arg4[%mul3A_35] : memref<320000xi32, #tpu.memory_space<hbm>> -> memref<128xi32, #tpu.memory_space<hbm>>
        %dma_start3A_41 = tpu.memref_slice %arg4[%mul3A_35] : memref<320000xi32, #tpu.memory_space<hbm>> -> memref<128xi32, #tpu.memory_space<hbm>>
        tpu.enqueue_dma source(%dma_start3A_41 : memref<128xi32, #tpu.memory_space<hbm>>) target(%arg8 : memref<128xi32, #tpu.memory_space<vmem>>) target_semaphore(%run_scoped3A : memref<!tpu.dma_semaphore, #tpu.memory_space<semaphore_mem>>)
        %dma_wait3A_42 = tpu.memref_slice %arg4[%mul3A_35] : memref<320000xi32, #tpu.memory_space<hbm>> -> memref<128xi32, #tpu.memory_space<hbm>>
        %dma_wait3A_43 = tpu.memref_slice %arg4[%mul3A_35] : memref<320000xi32, #tpu.memory_space<hbm>> -> memref<128xi32, #tpu.memory_space<hbm>>
        tpu.wait_dma2 semaphore(%run_scoped3A : memref<!tpu.dma_semaphore, #tpu.memory_space<semaphore_mem>>) src(%dma_wait3A_43 : memref<128xi32, #tpu.memory_space<hbm>>) dst(%arg8 : memref<128xi32, #tpu.memory_space<vmem>>)
        tpu.yield
      }) : () -> ()
      %dma_start3A = arith.constant 0 : i32
      %dma_start3A_36 = arith.constant 0 : i32
      %dma_start3A_37 = tpu.memref_slice %arg2[%dma_start3A, %dma_start3A_36] : memref<10000x128xf32, #tpu.memory_space<hbm>> -> memref<10000x128xf32, #tpu.memory_space<hbm>>
      tpu.enqueue_indirect_dma source(%dma_start3A_37 : memref<10000x128xf32, #tpu.memory_space<hbm>>) target(%arg9 : memref<128x128xf32, #tpu.memory_space<vmem>>) offsets(%arg7 : memref<128xi32, #tpu.memory_space<vmem>>) semaphore(%arg11 : memref<!tpu.dma_semaphore, #tpu.memory_space<semaphore_mem>>)
      %dma_wait3A = arith.constant 0 : i32
      %dma_wait3A_38 = arith.constant 0 : i32
      %dma_wait3A_39 = tpu.memref_slice %arg2[%dma_wait3A, %dma_wait3A_38] : memref<10000x128xf32, #tpu.memory_space<hbm>> -> memref<10000x128xf32, #tpu.memory_space<hbm>>
      tpu.wait_indirect_dma semaphore(%arg11 : memref<!tpu.dma_semaphore, #tpu.memory_space<semaphore_mem>>) src(%dma_wait3A_39 : memref<10000x128xf32, #tpu.memory_space<hbm>>) dst(%arg9 : memref<128x128xf32, #tpu.memory_space<vmem>>)
      "tpu.region"() ({
        %run_scoped3A = tpu.sem_alloc : memref<!tpu.dma_semaphore, #tpu.memory_space<semaphore_mem>>
        %dma_start3A_40 = arith.constant 0 : i32
        %dma_start3A_41 = arith.constant 0 : i32
        %dma_start3A_42 = tpu.memref_slice %arg10[%dma_start3A_40, %dma_start3A_41] : memref<10000x128xf32, #tpu.memory_space<vmem_shared>> -> memref<10000x128xf32, #tpu.memory_space<vmem_shared>>
        tpu.enqueue_indirect_dma source(%arg9 : memref<128x128xf32, #tpu.memory_space<vmem>>) target(%dma_start3A_42 : memref<10000x128xf32, #tpu.memory_space<vmem_shared>>) offsets(%arg8 : memref<128xi32, #tpu.memory_space<vmem>>) semaphore(%run_scoped3A : memref<!tpu.dma_semaphore, #tpu.memory_space<semaphore_mem>>) {add = true}
        %dma_wait3A_43 = arith.constant 0 : i32
        %dma_wait3A_44 = arith.constant 0 : i32
        %dma_wait3A_45 = tpu.memref_slice %arg10[%dma_wait3A_43, %dma_wait3A_44] : memref<10000x128xf32, #tpu.memory_space<vmem_shared>> -> memref<10000x128xf32, #tpu.memory_space<vmem_shared>>
        tpu.wait_indirect_dma semaphore(%run_scoped3A : memref<!tpu.dma_semaphore, #tpu.memory_space<semaphore_mem>>) src(%arg9 : memref<128x128xf32, #tpu.memory_space<vmem>>) dst(%dma_wait3A_45 : memref<10000x128xf32, #tpu.memory_space<vmem_shared>>)
        tpu.yield
      }) : () -> ()
    }
    %barrier3A_20 = arith.constant 0 : index
    tpu.barrier barrier_id(%barrier3A_20)
    %mul3A_21 = arith.constant 624 : i32
    %mul3A_22 = arith.muli %arg1, %mul3A_21 : i32
    %mul3A_23 = arith.constant 624 : i32
    %mul3A_24 = arith.muli %arg1, %mul3A_23 : i32
    "tpu.region"() ({
      %run_scoped3A = tpu.sem_alloc : memref<!tpu.dma_semaphore, #tpu.memory_space<semaphore_mem>>
      %dma_start3A = arith.constant 0 : i32
      %dma_start3A_30 = tpu.memref_slice %arg6[%arg0, %mul3A_24, %dma_start3A] : memref<2x10000x128xf32, #tpu.memory_space<hbm>> -> memref<1x624x128xf32, #tpu.memory_space<hbm>>
      %dma_start3A_31 = tpu.memref_squeeze %dma_start3A_30 : memref<1x624x128xf32, #tpu.memory_space<hbm>> -> memref<624x128xf32, #tpu.memory_space<hbm>>
      %dma_start3A_32 = arith.constant 0 : i32
      %dma_start3A_33 = tpu.memref_slice %arg10[%mul3A_22, %dma_start3A_32] : memref<10000x128xf32, #tpu.memory_space<vmem_shared>> -> memref<624x128xf32, #tpu.memory_space<vmem_shared>>
      tpu.enqueue_dma source(%dma_start3A_33 : memref<624x128xf32, #tpu.memory_space<vmem_shared>>) target(%dma_start3A_31 : memref<624x128xf32, #tpu.memory_space<hbm>>) target_semaphore(%run_scoped3A : memref<!tpu.dma_semaphore, #tpu.memory_space<semaphore_mem>>)
      %dma_wait3A = arith.constant 0 : i32
      %dma_wait3A_34 = tpu.memref_slice %arg6[%arg0, %mul3A_24, %dma_wait3A] : memref<2x10000x128xf32, #tpu.memory_space<hbm>> -> memref<1x624x128xf32, #tpu.memory_space<hbm>>
      %dma_wait3A_35 = tpu.memref_squeeze %dma_wait3A_34 : memref<1x624x128xf32, #tpu.memory_space<hbm>> -> memref<624x128xf32, #tpu.memory_space<hbm>>
      %dma_wait3A_36 = arith.constant 0 : i32
      %dma_wait3A_37 = tpu.memref_slice %arg10[%mul3A_22, %dma_wait3A_36] : memref<10000x128xf32, #tpu.memory_space<vmem_shared>> -> memref<624x128xf32, #tpu.memory_space<vmem_shared>>
      tpu.wait_dma2 semaphore(%run_scoped3A : memref<!tpu.dma_semaphore, #tpu.memory_space<semaphore_mem>>) src(%dma_wait3A_37 : memref<624x128xf32, #tpu.memory_space<vmem_shared>>) dst(%dma_wait3A_35 : memref<624x128xf32, #tpu.memory_space<hbm>>)
      tpu.yield
    }) : () -> ()
    %eq3A_25 = arith.constant 0 : i32
    %eq3A_26 = arith.cmpi eq, %arg1, %eq3A_25 : i32
    %convert_element_type3A_27 = arith.extui %eq3A_26 : i1 to i32
    %cond3A_28 = arith.constant 0 : i32
    %cond3A_29 = arith.cmpi ne, %convert_element_type3A_27, %cond3A_28 : i32
    scf.if %cond3A_29 {
      "tpu.region"() ({
        %run_scoped3A = tpu.sem_alloc : memref<!tpu.dma_semaphore, #tpu.memory_space<semaphore_mem>>
        %dma_start3A = arith.constant 9984 : i32
        %dma_start3A_30 = arith.constant 0 : i32
        %dma_start3A_31 = tpu.memref_slice %arg6[%arg0, %dma_start3A, %dma_start3A_30] : memref<2x10000x128xf32, #tpu.memory_space<hbm>> -> memref<1x16x128xf32, #tpu.memory_space<hbm>>
        %dma_start3A_32 = tpu.memref_squeeze %dma_start3A_31 : memref<1x16x128xf32, #tpu.memory_space<hbm>> -> memref<16x128xf32, #tpu.memory_space<hbm>>
        %dma_start3A_33 = arith.constant 9984 : i32
        %dma_start3A_34 = arith.constant 0 : i32
        %dma_start3A_35 = tpu.memref_slice %arg10[%dma_start3A_33, %dma_start3A_34] : memref<10000x128xf32, #tpu.memory_space<vmem_shared>> -> memref<16x128xf32, #tpu.memory_space<vmem_shared>>
        tpu.enqueue_dma source(%dma_start3A_35 : memref<16x128xf32, #tpu.memory_space<vmem_shared>>) target(%dma_start3A_32 : memref<16x128xf32, #tpu.memory_space<hbm>>) target_semaphore(%run_scoped3A : memref<!tpu.dma_semaphore, #tpu.memory_space<semaphore_mem>>)
        %dma_wait3A = arith.constant 9984 : i32
        %dma_wait3A_36 = arith.constant 0 : i32
        %dma_wait3A_37 = tpu.memref_slice %arg6[%arg0, %dma_wait3A, %dma_wait3A_36] : memref<2x10000x128xf32, #tpu.memory_space<hbm>> -> memref<1x16x128xf32, #tpu.memory_space<hbm>>
        %dma_wait3A_38 = tpu.memref_squeeze %dma_wait3A_37 : memref<1x16x128xf32, #tpu.memory_space<hbm>> -> memref<16x128xf32, #tpu.memory_space<hbm>>
        %dma_wait3A_39 = arith.constant 9984 : i32
        %dma_wait3A_40 = arith.constant 0 : i32
        %dma_wait3A_41 = tpu.memref_slice %arg10[%dma_wait3A_39, %dma_wait3A_40] : memref<10000x128xf32, #tpu.memory_space<vmem_shared>> -> memref<16x128xf32, #tpu.memory_space<vmem_shared>>
        tpu.wait_dma2 semaphore(%run_scoped3A : memref<!tpu.dma_semaphore, #tpu.memory_space<semaphore_mem>>) src(%dma_wait3A_41 : memref<16x128xf32, #tpu.memory_space<vmem_shared>>) dst(%dma_wait3A_38 : memref<16x128xf32, #tpu.memory_space<hbm>>)
        tpu.yield
      }) : () -> ()
    } else {
    }
    return
  }
}

module attributes {stable_mosaic.version = 14 : i64} {
  func.func @_mm_body(%arg0: i32, %arg1: memref<1000x128xf32, #tpu.memory_space<vmem>>, %arg2: memref<1000x128xf32, #tpu.memory_space<vmem>>, %arg3: memref<1000x128xf32, #tpu.memory_space<vmem>>, %arg4: memref<128x128xf32, #tpu.memory_space<vmem>>, %arg5: memref<1000x128xf32, #tpu.memory_space<vmem>>) attributes {dimension_semantics = [#tpu.dimension_semantics<arbitrary>], iteration_bounds = array<i64: 10>, scalar_prefetch = 0 : i64, scratch_operands = 0 : i64, tpu.core_type = #tpu.core_type<tc>, window_params = [{transform_indices = @transform_0, window_bounds = array<i64: 1000, 128>}, {transform_indices = @transform_1, window_bounds = array<i64: 1000, 128>}, {transform_indices = @transform_2, window_bounds = array<i64: 1000, 128>}, {pipeline_mode = #tpu.pipeline_mode<synchronous>, transform_indices = @transform_3, window_bounds = array<i64: 128, 128>}, {transform_indices = @transform_4, window_bounds = array<i64: 1000, 128>}]} {
    %get3A = arith.constant 0 : index
    %get3A_0 = arith.constant 0 : index
    %get3A_1 = vector.load %arg1[%get3A, %get3A_0] : memref<1000x128xf32, #tpu.memory_space<vmem>>, vector<1000x128xf32>
    %get3A_2 = arith.constant 0 : index
    %get3A_3 = arith.constant 0 : index
    %get3A_4 = vector.load %arg2[%get3A_2, %get3A_3] : memref<1000x128xf32, #tpu.memory_space<vmem>>, vector<1000x128xf32>
    %add3A = arith.addf %get3A_1, %get3A_4 : vector<1000x128xf32>
    %get3A_5 = arith.constant 0 : index
    %get3A_6 = arith.constant 0 : index
    %get3A_7 = vector.load %arg3[%get3A_5, %get3A_6] : memref<1000x128xf32, #tpu.memory_space<vmem>>, vector<1000x128xf32>
    %add3A_8 = arith.addf %add3A, %get3A_7 : vector<1000x128xf32>
    %get3A_9 = arith.constant 0 : index
    %get3A_10 = arith.constant 0 : index
    %get3A_11 = vector.load %arg4[%get3A_9, %get3A_10] : memref<128x128xf32, #tpu.memory_space<vmem>>, vector<128x128xf32>
    %dot_general3A = arith.constant dense<0.000000e+00> : vector<1000x128xf32>
    %dot_general3A_12 = tpu.matmul %add3A_8, %get3A_11, %dot_general3A {dimension_numbers = #tpu.dot_dimension_numbers<[1], [1], [0], [0], [0, 0, 1, 0], [], []>, transpose_lhs_hint = false} : vector<1000x128xf32>, vector<128x128xf32>, vector<1000x128xf32> -> vector<1000x128xf32>
    %swap3A = arith.constant 0 : index
    %swap3A_13 = arith.constant 0 : index
    %swap3A_14 = vector.load %arg5[%swap3A, %swap3A_13] : memref<1000x128xf32, #tpu.memory_space<vmem>>, vector<1000x128xf32>
    tpu.vector_store %arg5[%swap3A, %swap3A_13], %dot_general3A_12 {strides = array<i32>} : memref<1000x128xf32, #tpu.memory_space<vmem>>, vector<1000x128xf32>,
    return
  }
  func.func @transform_0(%arg0: i32) -> (i32, i32) {
    %c0_i32 = arith.constant 0 : i32
    %c0_i32_0 = arith.constant 0 : i32
    return %arg0, %c0_i32 : i32, i32
  }
  func.func @transform_1(%arg0: i32) -> (i32, i32) {
    %c0_i32 = arith.constant 0 : i32
    %c0_i32_0 = arith.constant 0 : i32
    return %arg0, %c0_i32 : i32, i32
  }
  func.func @transform_2(%arg0: i32) -> (i32, i32) {
    %c0_i32 = arith.constant 0 : i32
    %c0_i32_0 = arith.constant 0 : i32
    return %arg0, %c0_i32 : i32, i32
  }
  func.func @transform_3(%arg0: i32) -> (i32, i32) {
    %c0_i32 = arith.constant 0 : i32
    %c0_i32_0 = arith.constant 0 : i32
    %c0_i32_1 = arith.constant 0 : i32
    return %c0_i32, %c0_i32_0 : i32, i32
  }
  func.func @transform_4(%arg0: i32) -> (i32, i32) {
    %c0_i32 = arith.constant 0 : i32
    %c0_i32_0 = arith.constant 0 : i32
    return %arg0, %c0_i32 : i32, i32
  }
}

module attributes {stable_mosaic.version = 14 : i64} {
  func.func @_mm_body(%arg0: i32, %arg1: memref<1000x128xf32, #tpu.memory_space<vmem>>, %arg2: memref<1000x128xf32, #tpu.memory_space<vmem>>, %arg3: memref<1000x128xf32, #tpu.memory_space<vmem>>, %arg4: memref<128x128xf32, #tpu.memory_space<vmem>>, %arg5: memref<1000x128xf32, #tpu.memory_space<vmem>>) attributes {dimension_semantics = [#tpu.dimension_semantics<arbitrary>], iteration_bounds = array<i64: 10>, scalar_prefetch = 0 : i64, scratch_operands = 0 : i64, tpu.core_type = #tpu.core_type<tc>, window_params = [{transform_indices = @transform_0, window_bounds = array<i64: 1000, 128>}, {transform_indices = @transform_1, window_bounds = array<i64: 1000, 128>}, {transform_indices = @transform_2, window_bounds = array<i64: 1000, 128>}, {pipeline_mode = #tpu.pipeline_mode<synchronous>, transform_indices = @transform_3, window_bounds = array<i64: 128, 128>}, {transform_indices = @transform_4, window_bounds = array<i64: 1000, 128>}]} {
    %get3A = arith.constant 0 : index
    %get3A_0 = arith.constant 0 : index
    %get3A_1 = vector.load %arg1[%get3A, %get3A_0] : memref<1000x128xf32, #tpu.memory_space<vmem>>, vector<1000x128xf32>
    %get3A_2 = arith.constant 0 : index
    %get3A_3 = arith.constant 0 : index
    %get3A_4 = vector.load %arg2[%get3A_2, %get3A_3] : memref<1000x128xf32, #tpu.memory_space<vmem>>, vector<1000x128xf32>
    %add3A = arith.addf %get3A_1, %get3A_4 : vector<1000x128xf32>
    %get3A_5 = arith.constant 0 : index
    %get3A_6 = arith.constant 0 : index
    %get3A_7 = vector.load %arg3[%get3A_5, %get3A_6] : memref<1000x128xf32, #tpu.memory_space<vmem>>, vector<1000x128xf32>
    %add3A_8 = arith.addf %add3A, %get3A_7 : vector<1000x128xf32>
    %get3A_9 = arith.constant 0 : index
    %get3A_10 = arith.constant 0 : index
    %get3A_11 = vector.load %arg4[%get3A_9, %get3A_10] : memref<128x128xf32, #tpu.memory_space<vmem>>, vector<128x128xf32>
    %dot_general3A = arith.constant dense<0.000000e+00> : vector<1000x128xf32>
    %dot_general3A_12 = tpu.matmul %add3A_8, %get3A_11, %dot_general3A {dimension_numbers = #tpu.dot_dimension_numbers<[1], [1], [0], [0], [0, 0, 1, 0], [], []>, transpose_lhs_hint = false} : vector<1000x128xf32>, vector<128x128xf32>, vector<1000x128xf32> -> vector<1000x128xf32>
    %swap3A = arith.constant 0 : index
    %swap3A_13 = arith.constant 0 : index
    %swap3A_14 = vector.load %arg5[%swap3A, %swap3A_13] : memref<1000x128xf32, #tpu.memory_space<vmem>>, vector<1000x128xf32>
    tpu.vector_store %arg5[%swap3A, %swap3A_13], %dot_general3A_12 {strides = array<i32>} : memref<1000x128xf32, #tpu.memory_space<vmem>>, vector<1000x128xf32>,
    return
  }
  func.func @transform_0(%arg0: i32) -> (i32, i32) {
    %c0_i32 = arith.constant 0 : i32
    %c0_i32_0 = arith.constant 0 : i32
    return %arg0, %c0_i32 : i32, i32
  }
  func.func @transform_1(%arg0: i32) -> (i32, i32) {
    %c0_i32 = arith.constant 0 : i32
    %c0_i32_0 = arith.constant 0 : i32
    return %arg0, %c0_i32 : i32, i32
  }
  func.func @transform_2(%arg0: i32) -> (i32, i32) {
    %c0_i32 = arith.constant 0 : i32
    %c0_i32_0 = arith.constant 0 : i32
    return %arg0, %c0_i32 : i32, i32
  }
  func.func @transform_3(%arg0: i32) -> (i32, i32) {
    %c0_i32 = arith.constant 0 : i32
    %c0_i32_0 = arith.constant 0 : i32
    %c0_i32_1 = arith.constant 0 : i32
    return %c0_i32, %c0_i32_0 : i32, i32
  }
  func.func @transform_4(%arg0: i32) -> (i32, i32) {
    %c0_i32 = arith.constant 0 : i32
    %c0_i32_0 = arith.constant 0 : i32
    return %arg0, %c0_i32 : i32, i32
  }
}

</mosaic_0001>

<sc_bundles>
// kernel: kernel.6.cloned.1.call-start
scs
__scs_entry_jumppad:
0x0: {  	(pc) =	sbr.rel $0x88, $3  }
0x1: {  	(tag) =	ssettag $0x0;
	lr =	simm.s32 $0x1  }
0x2: {  	[smem:$0x3F9D] =	sst lr;
	_ =	strace $0xD0000000  }
0x3: {  	_ = 	snop  }
0x4: {  	_ = 	snop  }
0x5: {  	_ = 	snop  }
0x6: {  	_ = 	snop  }
0x7: {  	_ = 	snop  }
__scs_overlays_trampoline_lowered:
0x8: {  	[smem:$0x3FAC] =	sst s0  }
0x9: {  	[smem:$0x3FAD] =	sst s1  }
0xa: {  	[smem:$0x3FAE] =	sst s2  }
0xb: {  	[smem:$0x3FAF] =	sst s3  }
0xc: {  	[smem:$0x3FB0] =	sst s4  }
0xd: {  	[smem:$0x3FB1] =	sst s5  }
0xe: {  	[smem:$0x3FB2] =	sst s6  }
0xf: {  	[smem:$0x3FB3] =	sst s7  }
0x10: {  	[smem:$0x3FB4] =	sst s8  }
0x11: {  	[smem:$0x3FB5] =	sst s9;
	s0 =	simm.s32 @!p0 $0x0  }
0x12: {  	s1 =	sld [smem:$0x3F9B];
	s0 =	simm.s32 @p0 $0x1  }
0x13: {  	[smem:$0x3FB6] =	sst s0;
	s0 =	simm.s32 @!p1 $0x0  }
0x14: {  	s2 =	sld [smem:$0x3F9A];
	s0 =	simm.s32 @p1 $0x1  }
0x15: {  	[smem:$0x3FB7] =	sst s0;
	s0 =	simm.s32 @!p2 $0x0  }
0x16: {  	s3 =	sld [smem:$0x3FDB];
	s0 =	simm.s32 @p2 $0x1  }
0x17: {  	s4 =	simm.s32 $0x1BF5;
	[smem:$0x3FB9] =	sst s0  }
0x18: {  	s0 =	sld [smem:$0x3F9C];
	_ =	swait.ge [sflag:s4], $0x0  }
0x19: {  	s7 =	sld [smem:$0x3F9D]  }
0x1a: {  	s8 =	sadd.s32 $0xFFFFE003, lr  }
0x1b: {  	s9 =	sadd.s32 $0xFFFFFEF7, lr;
	s5 =	simm.s32 $0xFFFFFFFF;
	p2 =	slt.u32 s8, $0xFFFFF086  }
0x1c: {  	p1 =	slt.u32 s9, $0xF7A;
	s5 =	simm.s32 @!p2 $0x0  }
0x1d: {  	s5 =	simm.s32 @p1 $0x1;
	p0 =	seq.s32 s7, s2  }
0x1e: {  	s7 =	smul.u32 @!p0 $0xF7A, s2;
	p2 =	seq.s32 @!p0 s5, $0x0  }
0x1f: {  	s9 =	smul.u32 $0xF7A, s1;
	s8 =	simm.s32 @!p0 $0x1BF5;
	p2 =	por !p2, p0  }
0x20: {  	[sflag:s8] =	ssyncset.s32 @!p0 $0xFFFFF086;
	s6 =	sadd.s32 @!p0 s3, s7;
	s7 =	simm.s32 @!p0 $0x108  }
0x21: {  	s3 =	sadd.s32 s3, s9;
	s6 =	sadd.s32 @!p0 $0x88, s6;
	s7 =	simm.s32 @p2 $0x1082  }
0x22: {  	[simem:s7], [sflag:s8] =	dma.local @!p0 [hbm:s6], $0xF7A  }
0x23: {  	s9 =	sor.u32 $0xD0000000, s2;
	s6 =	simm.s32 $0x108;
	_ =	swait.ge @!p0 [sflag:s8], $0x0  }
0x24: {  	s3 =	sadd.s32 $0x88, s3;
	s6 =	simm.s32 @!p1 $0x1082;
	[sflag:s4] =	ssyncset.s32 $0xFFFFF086  }
0x25: {  	[simem:s6], [sflag:s4] =	dma.local [hbm:s3], $0xF7A  }
0x26: {  	[smem:$0x3F9D] =	sst s1;
	(tag) =	ssettag s2;
	_ =	strace s9  }
0x27: {  	s1 =	sld [smem:$0x3FAD]  }
0x28: {  	s2 =	sld [smem:$0x3FAE]  }
0x29: {  	s4 =	sld [smem:$0x3FB0]  }
0x2a: {  	p0 =	seq.s32 s5, $0x0;
	s5 =	sld [smem:$0x3FB1]  }
0x2b: {  	s6 =	sld [smem:$0x3FB2]  }
0x2c: {  	s7 =	sld [smem:$0x3FB3]  }
0x2d: {  	s3 =	simm.s32 $0x108;
	s8 =	sld [smem:$0x3FB4]  }
0x2e: {  	s3 =	simm.s32 @!p0 $0x1082;
	s9 =	sld [smem:$0x3FB5]  }
0x2f: {  	lr =	sadd.s32 s0, s3;
	s0 =	sld [smem:$0x3FAC]  }
0x30: {  	s3 =	sld [smem:$0x3FAF]  }
0x31: {  	[smem:$0x3FB8] =	sst s10  }
0x32: {  	s10 =	sld [smem:$0x3FB6];
	_ =	sdelay $0x3  }
0x33: {  	p0 =	seq.s32 s10, $0x1;
	s10 =	sld [smem:$0x3FB8];
	_ =	sdelay $0x3  }
0x34: {  	[smem:$0x3FB8] =	sst s10  }
0x35: {  	s10 =	sld [smem:$0x3FB7];
	_ =	sdelay $0x3  }
0x36: {  	p1 =	seq.s32 s10, $0x1;
	s10 =	sld [smem:$0x3FB8];
	_ =	sdelay $0x3  }
0x37: {  	[smem:$0x3FB8] =	sst s10  }
0x38: {  	s10 =	sld [smem:$0x3FB9]  }
0x39: {  	_ = 	snop;
	(pc) =	sbr.ind lr, $3  }
0x3a: {  	_ = 	snop  }
0x3b: {  	_ = 	snop  }
0x3c: {  	p2 =	seq.s32 s10, $0x1;
	s10 =	sld [smem:$0x3FB8]  }
0x3d: {  	_ =	shalt  }
0x3e: {  	_ =	shalt  }
0x3f: {  	_ =	shalt  }
0x40: {  	_ =	shalt  }
0x41: {  	_ =	shalt  }
0x42: {  	_ =	shalt  }
0x43: {  	_ =	shalt  }
0x44: {  	_ =	shalt  }
0x45: {  	_ =	shalt  }
0x46: {  	_ =	shalt  }
0x47: {  	_ =	shalt  }
0x48: {  	_ =	shalt  }
0x49: {  	_ =	shalt  }
0x4a: {  	_ =	shalt  }
0x4b: {  	_ =	shalt  }
0x4c: {  	_ =	shalt  }
0x4d: {  	_ =	shalt  }
0x4e: {  	_ =	shalt  }
0x4f: {  	_ =	shalt  }
0x50: {  	_ =	shalt  }
0x51: {  	_ =	shalt  }
0x52: {  	_ =	shalt  }
0x53: {  	_ =	shalt  }
0x54: {  	_ =	shalt  }
0x55: {  	_ =	shalt  }
0x56: {  	_ =	shalt  }
0x57: {  	_ =	shalt  }
0x58: {  	_ =	shalt  }
0x59: {  	_ =	shalt  }
0x5a: {  	_ =	shalt  }
0x5b: {  	_ =	shalt  }
0x5c: {  	_ =	shalt  }
0x5d: {  	_ =	shalt  }
0x5e: {  	_ =	shalt  }
0x5f: {  	_ =	shalt  }
0x60: {  	_ =	shalt  }
0x61: {  	_ =	shalt  }
0x62: {  	_ =	shalt  }
0x63: {  	_ =	shalt  }
0x64: {  	_ =	shalt  }
0x65: {  	_ =	shalt  }
0x66: {  	_ =	shalt  }
0x67: {  	_ =	shalt  }
0x68: {  	_ =	shalt  }
0x69: {  	_ =	shalt  }
0x6a: {  	_ =	shalt  }
0x6b: {  	_ =	shalt  }
0x6c: {  	_ =	shalt  }
0x6d: {  	_ =	shalt  }
0x6e: {  	_ =	shalt  }
0x6f: {  	_ =	shalt  }
0x70: {  	_ =	shalt  }
0x71: {  	_ =	shalt  }
0x72: {  	_ =	shalt  }
0x73: {  	_ =	shalt  }
0x74: {  	_ =	shalt  }
0x75: {  	_ =	shalt  }
0x76: {  	_ =	shalt  }
0x77: {  	_ =	shalt  }
0x78: {  	_ =	shalt  }
0x79: {  	_ =	shalt  }
0x7a: {  	_ =	shalt  }
0x7b: {  	_ =	shalt  }
0x7c: {  	_ =	shalt  }
0x7d: {  	_ =	shalt  }
0x7e: {  	_ =	shalt  }
0x7f: {  	_ =	shalt  }
0x80: {  	_ =	shalt  }
0x81: {  	_ =	shalt  }
0x82: {  	_ =	shalt  }
0x83: {  	_ =	shalt  }
0x84: {  	_ =	shalt  }
0x85: {  	_ =	shalt  }
0x86: {  	_ =	shalt  }
0x87: {  	_ =	shalt  }
.Lfunc_end0:
.L_simem_size_0:
called_computation_lowered:
.L_overlay_start_0:
0x88: {  	s2 =	sld [smem:$0x3FD9]  }
0x89: {  	s3 =	sld [smem:$0x3FFE];
	_ =	sdelay $0x1  }
0x8a: {  	s1 =	srdreg.scid  }
0x8b: {  	s0 =	sand.u32 $0x1, s1  }
0x8c: {  	s17 =	sshll.u32 s0, $0xA;
	s2 =	sadd.s32 s3, s2  }
0x8d: {  	s2 =	sadd.s32 s2, s17  }
0x8e: {  	[smem:$0x3FC4] =	sst s2  }
0x8f: {  	_ = 	snop  }
0x90: {  	s2 =	sld [smem:$0x3FC9]  }
0x91: {  	s18 =	sld [smem:$0x3FD0];
	(tm) =	ssettm $0x1  }
0x92: {  	s4 =	sld [smem:$0x3FFB];
	_ =	sdelay $0x3  }
0x93: {  	_ =	strace s4  }
0x94: {  	s4 =	sld [smem:$0x3FFC];
	_ =	sdelay $0x3  }
0x95: {  	_ =	strace s4  }
0x96: {  	s4 =	sld [smem:$0x3FFD];
	_ =	sdelay $0x3  }
0x97: {  	_ =	strace s4  }
0x98: {  	_ =	strace $0x8FFFFFFF  }
0x99: {  	s19 =	sld [smem:$0x3FDB];
	_ =	sdelay $0x1  }
0x9a: {  	s5 =	simm.s32 $_scs_section_size  }
0x9b: {  	s6 =	simm.s32 $_size__tile_overlayer_lowered;
	s7 =	simm.s32 $_tile_overlayer_lowered  }
0x9c: {  	s22 =	simm.s32 $0x1BFF;
	s21 =	sshll.u32 s7, $0x1;
	s4 =	sadd.s32 s5, s19  }
0x9d: {  	s8 =	simm.s32 $0x0;
	s20 =	sshll.u32 s6, $0x1;
	s6 =	sadd.s32 s21, s4  }
0x9e: {  	[timem:s8], [sflag:s22] =	dma.local [hbm:s6], s20  }
0x9f: {  	_ =	swait.ge [sflag:s22], s20  }
0xa0: {  	s5 =	ssub.s32 $0x0, s20;
	[sflag:s22] =	ssyncset.done $0x0  }
0xa1: {  	[sflag:s22] =	ssyncadd.s32 s5;
	_ =	sdelay $0x1  }
0xa2: {  	s23 =	simm.s32 $0x1B8B  }
0xa3: {  	_ =	swait.ge [sflag:s23], $0x1  }
0xa4: {  	[sflag:s23] =	ssyncset.done $0x0  }
0xa5: {  	s25 =	simm.s32 $0x1B8E;
	s24 =	sld [smem:$0x3FFE];
	[sflag:s23] =	ssyncadd.s32 $0xFFFFFFFF  }
0xa6: {  	s26 =	simm.s32 $execute0_lowered;
	[smem:$0x3FD2] =	sst s25  }
0xa7: {  	s6 =	sshll.u32 s26, $0x1;
	_ =	strace $0x80000046;
	[dreg:$0x1] =	wrdreg $0xFFFFFFFF  }
0xa8: {  	s28 =	simm.s32 $_size_execute0_lowered;
	s4 =	sadd.s32 s4, s6;
	[dreg:$0x0] =	wrdreg $0x0  }
0xa9: {  	s6 =	sshll.u32 s28, $0x1;
	[dreg:$0x2] =	wrdreg s4  }
0xaa: {  	[dreg:$0x3] =	wrdreg s6  }
0xab: {  	[dreg:$0x4] =	wrdreg $0xC0  }
0xac: {  	_ =	task [dreg:s8], $0x5FFFF  }
0xad: {  	[dreg:$0x1] =	wrdreg $0xFFFFFFFF  }
0xae: {  	[dreg:$0x0] =	wrdreg $0x60  }
0xaf: {  	[dreg:$0x2] =	wrdreg s2  }
0xb0: {  	[dreg:$0x3] =	wrdreg s24  }
0xb1: {  	[dreg:$0x4] =	wrdreg s18  }
0xb2: {  	[dreg:$0x5] =	wrdreg $0x41000  }
0xb3: {  	[dreg:$0x6] =	wrdreg $0x9  }
0xb4: {  	_ =	task.clear_ibuf [dreg:s8], $0x7FFFF;
	_ =	strace $0x90000046  }
0xb5: {  	s29 =	simm.s32 $0x9;
	_ =	strace $0x80000048  }
0xb6: {  	_ =	swait.ge [sflag:s29], $0x1  }
0xb7: {  	[sflag:s29] =	ssyncadd.s32 $0xFFFFFFFF  }
0xb8: {  	_ =	strace $0x90000048  }
0xb9: {  	_ =	sfence  }
0xba: {  	s30 =	sld [smem:$0x0];
	_ =	sdelay $0x2  }
0xbb: {  	s31 =	sshll.u32 s1, $0xD;
	s1 =	sshrl.u32 s1, $0x2  }
0xbc: {  	s3 =	sand.u32 $0x4000, s31;
	s1 =	sadd.s32 s1, s30  }
0xbd: {  	s0 =	sor.u32 s3, s0;
	s1 =	sshll.u32 s1, $0x11  }
0xbe: {  	s0 =	sor.u32 s1, s0  }
0xbf: {  	s0 =	sadd.s32 $0x8F2B, s0  }
0xc0: {  	[sflag:s0] =	ssyncadd.remote.s32 $0x1  }
0xc1: {  	_ =	sfence.sel $0xFFFF  }
0xc2: {  	[dreg:$0x0] =	wrdreg $0xFFFFFFFF;
	(pc) =	sbr.abs _section_cstart, $3  }
0xc3: {  	[dreg:$0x1] =	wrdreg $0xFFFFFFFF  }
0xc4: {  	_ =	task.clear_ibuf [dreg:s8], $0x2FFFF;
	_ =	strace $0x9FFFFFFF  }
0xc5: {  	(tm) =	ssettm $0x7FFFFFFF  }
tec
execute0_lowered:
.L_overlay_start_1:
0x0: {  	(tag) =	ssettag $0x1  }
0x1: {  	s0 =	rddreg [dreg:$0x0]  }
0x2: {  	s4 =	rddreg [dreg:$0x1]  }
0x3: {  	s1 =	srdreg.scid;
	s6 =	rddreg [dreg:$0x2]  }
0x4: {  	s13 =	stileid.u32;
	s2 =	rddreg [dreg:$0x3]  }
0x5: {  	s3 =	simm.s32 $0x0;
	s17 =	simm.s32 $0x100;
	s18 =	simm.s32 $0x1  }
0x6: {  	s19 =	simm.s32 $0x0;
	s5 =	sand.u32 $0x1, s1;
	s1 =	rddreg [dreg:$0x4]  }
0x7: {  	s7 =	sshll.u32 s13, $0x8;
	[smem:$0x7FF] =	sst s3;
	s23 =	smul.u32 $0x4E000, s13  }
0x8: {  	s10 =	smul.u32 $0x13800, s13;
	s11 =	sadd.s32 $0x15000, s4;
	s26 =	sshll.u32 s13, $0x6  }
0x9: {  	s16 =	sadd.s32 $0x138000, s2;
	p0 =	slt.u32 s13, $0x2;
	s8 =	sshll.u32 s5, $0x7  }
0xa: {  	_ =	strace $0x80000047;
	s24 =	ssub.s32 $0x2, s5;
	s28 =	smul.u32 $0x138800, s5  }
0xb: {  	s5 =	sor.u32 $0x1C02, s26;
	s7 =	sor.u32 s8, s7;
	s9 =	sshrl.u32 s24, $0x1  }
0xc: {  	s8 =	sshrl.u32 s23, $0x2;
	s25 =	sshrl.u32 s10, $0x3;
	s7 =	sshrl.u32 s7, $0x3  }
0xd: {  	s14 =	ssub.s32 s24, s9;
	s15 =	sadd.s32 s8, s2;
	s29 =	sadd.s32 s10, s28  }
0xe: {  	s30 =	sshrl.u32 s28, $0x3;
	s12 =	sadd.s32 s7, s4;
	s4 =	sadd.s32 s6, s25  }
0xf: {  	s6 =	sadd.s32 $0x27000, s6;
	s7 =	simm.s32 $0x4F;
	s9 =	sshrl.u32 s29, $0x3  }
0x10: {  	s31 =	sadd.s32 s11, s30;
	s10 =	smax.u32 s14, $0x1;
	s14 =	simm.s32 $0x2  }
0x11: {  	s7 =	simm.s32 @!p0 $0x4E;
	s8 =	sadd.s32 s11, s9;
	s9 =	sadd.s32 $0x27000, s31  }
0x12: {  	s11 =	sadd.s32 $0x1400, s12;
	s12 =	sadd.s32 $0xB200, s12;
	p0 =	sne.s32 s13, $0x0  }
0x13: {  	s13 =	sshrl.u32 s15, $0x3;
	s15 =	sshrl.u32 @!p0 s16, $0x3;
	s16 =	simm.s32 $0x80  }
.LBB2_1:
0x14: {  	[spmem:s13], [sflag:s5] =	dma.local [hbm:s4], $0x2700  }
0x15: {  	_ =	swait.ge [sflag:s14], $0x2700  }
0x16: {  	[sflag:s14] =	ssyncset.done $0x0  }
0x17: {  	s20 =	simm.s32 @!p0 $0x2;
	[sflag:s14] =	ssyncadd.s32 $0xFFFFD900  }
0x18: {  	[spmem:s15], [sflag:s5] =	dma.local @!p0 [hbm:s6], $0x100  }
0x19: {  	_ =	swait.ge @!p0 [sflag:s20], $0x100  }
0x1a: {  	[sflag:s20] =	ssyncset.done @!p0 $0x0  }
0x1b: {  	[sflag:s20] =	ssyncadd.s32 @!p0 $0xFFFFFF00  }
0x1c: {  	[bflag:$0x0] =	sbarrier.arrive $0xFFFF  }
0x1d: {  	[tilespmem:s3], [sflag:$0x2] =	stream.linear.gather [hbm4b:s12+s3], $0x80, $0x38;
	[tilespmem:$0x17980] =	vst v63  }
0x1e: {  	_ =	swait.ge [sflag:s14], $0x80  }
0x1f: {  	[sflag:s14] =	ssyncset.done $0x0  }
0x20: {  	[sflag:s14] =	ssyncadd.s32 $0xFFFFFF80  }
0x21: {  	[tilespmem:s16], [sflag:$0x2] =	stream.linear.gather [hbm4b:s11+s3], $0x80, $0x38;
	[tilespmem:$0x17980] =	vst v63  }
0x22: {  	_ =	swait.ge [sflag:s14], $0x80  }
0x23: {  	[sflag:s14] =	ssyncset.done $0x0  }
0x24: {  	[sflag:s14] =	ssyncadd.s32 $0xFFFFFF80  }
0x25: {  	[tilespmem:s17], [sflag:$0x1] =	stream.indirect.gather [hbm4b:s0+s16], $0x80, s3, s16, $0xb8;
	[tilespmem:$0x17980] =	vst v63  }
0x26: {  	p1 =	sne.s32 s7, $0x1;
	_ =	swait.ge [sflag:s18], $0x4000  }
.Ltmp0:
0x27: {  	[sflag:s18] =	ssyncset.done $0x0;
	(pc) =	sbr.rel @!p1 .LBB2_3-.Ltmp0, $4  }
0x28: {  	[sflag:s18] =	ssyncadd.s32 $0xFFFFC000  }
0x29: {  	[spmem:s2] =	stream.indirect.scatter.add.f32 [tilespmem:s17], [sflag:$0x2], $0x80, s16, s16, $0xb8;
	[tilespmem:$0x17980] =	vst v63  }
0x2a: {  	s21 =	sadd.s32 $0xFFFFFFFF, s7;
	_ =	swait.ge [sflag:s14], $0x4000  }
0x2b: {  	s22 =	smov.u32 s11;
	s23 =	smov.u32 s12;
	[sflag:s14] =	ssyncset.done $0x0  }
.LBB2_2:
0x2c: {  	[sflag:s14] =	ssyncadd.s32 $0xFFFFC000;
	s22 =	sadd.s32 $0x200, s22;
	s23 =	sadd.s32 $0x200, s23  }
0x2d: {  	[tilespmem:s3], [sflag:$0x2] =	stream.linear.gather [hbm4b:s23+s3], $0x80, $0x38;
	[tilespmem:$0x17980] =	vst v63  }
0x2e: {  	p1 =	sne.s32 s21, $0x1;
	s21 =	sadd.s32 $0xFFFFFFFF, s21;
	_ =	swait.ge [sflag:s14], $0x80  }
0x2f: {  	[sflag:s14] =	ssyncset.done $0x0  }
0x30: {  	[sflag:s14] =	ssyncadd.s32 $0xFFFFFF80  }
0x31: {  	[tilespmem:s16], [sflag:$0x2] =	stream.linear.gather [hbm4b:s22+s3], $0x80, $0x38;
	[tilespmem:$0x17980] =	vst v63  }
0x32: {  	_ =	swait.ge [sflag:s14], $0x80  }
0x33: {  	[sflag:s14] =	ssyncset.done $0x0  }
0x34: {  	[sflag:s14] =	ssyncadd.s32 $0xFFFFFF80  }
0x35: {  	[tilespmem:s17], [sflag:$0x1] =	stream.indirect.gather [hbm4b:s0+s16], $0x80, s3, s16, $0xb8;
	[tilespmem:$0x17980] =	vst v63  }
0x36: {  	_ =	swait.ge [sflag:s18], $0x4000  }
.Ltmp1:
0x37: {  	[sflag:s18] =	ssyncset.done $0x0;
	(pc) =	sbr.rel @p1 .LBB2_2-.Ltmp1, $4  }
0x38: {  	[sflag:s18] =	ssyncadd.s32 $0xFFFFC000  }
0x39: {  	[spmem:s2] =	stream.indirect.scatter.add.f32 [tilespmem:s17], [sflag:$0x2], $0x80, s16, s16, $0xb8;
	[tilespmem:$0x17980] =	vst v63  }
0x3a: {  	_ =	swait.ge [sflag:s14], $0x4000  }
0x3b: {  	[sflag:s14] =	ssyncset.done $0x0  }
.LBB2_3:
0x3c: {  	[sflag:s14] =	ssyncadd.s32 $0xFFFFC000  }
0x3d: {  	[bflag:$0x0] =	sbarrier.arrive $0xFFFF  }
0x3e: {  	[hbm:s8], [sflag:s5] =	dma.local [spmem:s13], $0x2700  }
0x3f: {  	s19 =	sadd.s32 $0x1, s19;
	_ =	swait.ge [sflag:s14], $0x2700  }
0x40: {  	p1 =	sne.s32 s19, s10;
	[sflag:s14] =	ssyncset.done $0x0  }
.Ltmp2:
0x41: {  	[sflag:s14] =	ssyncadd.s32 $0xFFFFD900;
	(pc) =	sbr.rel @p1 .LBB2_1-.Ltmp2, $4  }
0x42: {  	[hbm:s9], [sflag:s5] =	dma.local @!p0 [spmem:s15], $0x100  }
0x43: {  	_ =	swait.ge @!p0 [sflag:s20], $0x100  }
0x44: {  	[sflag:s20] =	ssyncset.done @!p0 $0x0  }
0x45: {  	[sflag:s20] =	ssyncadd.s32 @!p0 $0xFFFFFF00  }
0x46: {  	_ =	sfence.sel $0x180000  }
0x47: {  	[bflag:$0x0] =	sbarrier.arrive $0xFFFF  }
0x48: {  	_ =	strace $0x90000047  }
0x49: {  	s0 =	sadd.s32 @!p0 $0x100000, s1;
	[bflag:$0x2] =	sbarrier.arrive $0xFFFF  }
0x4a: {  	[sflag:s0] =	ssyncadd.tile.s32 @!p0 $0x1;
	_ =	shalt  }
.Lfunc_end2:
_tile_overlayer_lowered:
.L_overlay_start_2:
0x4b: {  	(tag) =	ssettag $0x2  }
0x4c: {  	s0 =	rddreg [dreg:$0x0];
	s2 =	stileid.u32  }
0x4d: {  	s1 =	rddreg [dreg:$0x1];
	p0 =	sne.s32 s2, $0x0  }
0x4e: {  	s3 =	rddreg [dreg:$0x2];
	[bflag:$0x3] =	sbarrier.arrive $0xFFFF;
	s2 =	simm.s32 @!p0 $0x1C02  }
0x4f: {  	[timem:s3], [sflag:s2] =	dma.local @!p0 [hbm:s0], s1  }
0x50: {  	s0 =	simm.s32 @!p0 $0x2  }
0x51: {  	_ =	swait.ge @!p0 [sflag:s0], s1  }
0x52: {  	s1 =	ssub.s32 @!p0 $0x0, s1;
	[sflag:s0] =	ssyncset.done @!p0 $0x0  }
0x53: {  	[sflag:s0] =	ssyncadd.s32 @!p0 s1  }
0x54: {  	[bflag:$0x3] =	sbarrier.arrive $0xFFFF  }
0x55: {  	_ =	shalt  }

// kernel: kernel.9.cloned.1.call-start
scs
__scs_entry_jumppad:
0x0: {  	(pc) =	sbr.rel $0x88, $3  }
0x1: {  	(tag) =	ssettag $0x0;
	lr =	simm.s32 $0x1  }
0x2: {  	[smem:$0x3F9D] =	sst lr;
	_ =	strace $0xD0000000  }
0x3: {  	_ = 	snop  }
0x4: {  	_ = 	snop  }
0x5: {  	_ = 	snop  }
0x6: {  	_ = 	snop  }
0x7: {  	_ = 	snop  }
__scs_overlays_trampoline_lowered:
0x8: {  	[smem:$0x3FAC] =	sst s0  }
0x9: {  	[smem:$0x3FAD] =	sst s1  }
0xa: {  	[smem:$0x3FAE] =	sst s2  }
0xb: {  	[smem:$0x3FAF] =	sst s3  }
0xc: {  	[smem:$0x3FB0] =	sst s4  }
0xd: {  	[smem:$0x3FB1] =	sst s5  }
0xe: {  	[smem:$0x3FB2] =	sst s6  }
0xf: {  	[smem:$0x3FB3] =	sst s7  }
0x10: {  	[smem:$0x3FB4] =	sst s8  }
0x11: {  	[smem:$0x3FB5] =	sst s9;
	s0 =	simm.s32 @!p0 $0x0  }
0x12: {  	s1 =	sld [smem:$0x3F9B];
	s0 =	simm.s32 @p0 $0x1  }
0x13: {  	[smem:$0x3FB6] =	sst s0;
	s0 =	simm.s32 @!p1 $0x0  }
0x14: {  	s2 =	sld [smem:$0x3F9A];
	s0 =	simm.s32 @p1 $0x1  }
0x15: {  	[smem:$0x3FB7] =	sst s0;
	s0 =	simm.s32 @!p2 $0x0  }
0x16: {  	s3 =	sld [smem:$0x3FDB];
	s0 =	simm.s32 @p2 $0x1  }
0x17: {  	s4 =	simm.s32 $0x1BF5;
	[smem:$0x3FB9] =	sst s0  }
0x18: {  	s0 =	sld [smem:$0x3F9C];
	_ =	swait.ge [sflag:s4], $0x0  }
0x19: {  	s7 =	sld [smem:$0x3F9D]  }
0x1a: {  	s8 =	sadd.s32 $0xFFFFE003, lr  }
0x1b: {  	s9 =	sadd.s32 $0xFFFFFEF7, lr;
	s5 =	simm.s32 $0xFFFFFFFF;
	p2 =	slt.u32 s8, $0xFFFFF086  }
0x1c: {  	p1 =	slt.u32 s9, $0xF7A;
	s5 =	simm.s32 @!p2 $0x0  }
0x1d: {  	s5 =	simm.s32 @p1 $0x1;
	p0 =	seq.s32 s7, s2  }
0x1e: {  	s7 =	smul.u32 @!p0 $0xF7A, s2;
	p2 =	seq.s32 @!p0 s5, $0x0  }
0x1f: {  	s9 =	smul.u32 $0xF7A, s1;
	s8 =	simm.s32 @!p0 $0x1BF5;
	p2 =	por !p2, p0  }
0x20: {  	[sflag:s8] =	ssyncset.s32 @!p0 $0xFFFFF086;
	s6 =	sadd.s32 @!p0 s3, s7;
	s7 =	simm.s32 @!p0 $0x108  }
0x21: {  	s3 =	sadd.s32 s3, s9;
	s6 =	sadd.s32 @!p0 $0x88, s6;
	s7 =	simm.s32 @p2 $0x1082  }
0x22: {  	[simem:s7], [sflag:s8] =	dma.local @!p0 [hbm:s6], $0xF7A  }
0x23: {  	s9 =	sor.u32 $0xD0000000, s2;
	s6 =	simm.s32 $0x108;
	_ =	swait.ge @!p0 [sflag:s8], $0x0  }
0x24: {  	s3 =	sadd.s32 $0x88, s3;
	s6 =	simm.s32 @!p1 $0x1082;
	[sflag:s4] =	ssyncset.s32 $0xFFFFF086  }
0x25: {  	[simem:s6], [sflag:s4] =	dma.local [hbm:s3], $0xF7A  }
0x26: {  	[smem:$0x3F9D] =	sst s1;
	(tag) =	ssettag s2;
	_ =	strace s9  }
0x27: {  	s1 =	sld [smem:$0x3FAD]  }
0x28: {  	s2 =	sld [smem:$0x3FAE]  }
0x29: {  	s4 =	sld [smem:$0x3FB0]  }
0x2a: {  	p0 =	seq.s32 s5, $0x0;
	s5 =	sld [smem:$0x3FB1]  }
0x2b: {  	s6 =	sld [smem:$0x3FB2]  }
0x2c: {  	s7 =	sld [smem:$0x3FB3]  }
0x2d: {  	s3 =	simm.s32 $0x108;
	s8 =	sld [smem:$0x3FB4]  }
0x2e: {  	s3 =	simm.s32 @!p0 $0x1082;
	s9 =	sld [smem:$0x3FB5]  }
0x2f: {  	lr =	sadd.s32 s0, s3;
	s0 =	sld [smem:$0x3FAC]  }
0x30: {  	s3 =	sld [smem:$0x3FAF]  }
0x31: {  	[smem:$0x3FB8] =	sst s10  }
0x32: {  	s10 =	sld [smem:$0x3FB6];
	_ =	sdelay $0x3  }
0x33: {  	p0 =	seq.s32 s10, $0x1;
	s10 =	sld [smem:$0x3FB8];
	_ =	sdelay $0x3  }
0x34: {  	[smem:$0x3FB8] =	sst s10  }
0x35: {  	s10 =	sld [smem:$0x3FB7];
	_ =	sdelay $0x3  }
0x36: {  	p1 =	seq.s32 s10, $0x1;
	s10 =	sld [smem:$0x3FB8];
	_ =	sdelay $0x3  }
0x37: {  	[smem:$0x3FB8] =	sst s10  }
0x38: {  	s10 =	sld [smem:$0x3FB9]  }
0x39: {  	_ = 	snop;
	(pc) =	sbr.ind lr, $3  }
0x3a: {  	_ = 	snop  }
0x3b: {  	_ = 	snop  }
0x3c: {  	p2 =	seq.s32 s10, $0x1;
	s10 =	sld [smem:$0x3FB8]  }
0x3d: {  	_ =	shalt  }
0x3e: {  	_ =	shalt  }
0x3f: {  	_ =	shalt  }
0x40: {  	_ =	shalt  }
0x41: {  	_ =	shalt  }
0x42: {  	_ =	shalt  }
0x43: {  	_ =	shalt  }
0x44: {  	_ =	shalt  }
0x45: {  	_ =	shalt  }
0x46: {  	_ =	shalt  }
0x47: {  	_ =	shalt  }
0x48: {  	_ =	shalt  }
0x49: {  	_ =	shalt  }
0x4a: {  	_ =	shalt  }
0x4b: {  	_ =	shalt  }
0x4c: {  	_ =	shalt  }
0x4d: {  	_ =	shalt  }
0x4e: {  	_ =	shalt  }
0x4f: {  	_ =	shalt  }
0x50: {  	_ =	shalt  }
0x51: {  	_ =	shalt  }
0x52: {  	_ =	shalt  }
0x53: {  	_ =	shalt  }
0x54: {  	_ =	shalt  }
0x55: {  	_ =	shalt  }
0x56: {  	_ =	shalt  }
0x57: {  	_ =	shalt  }
0x58: {  	_ =	shalt  }
0x59: {  	_ =	shalt  }
0x5a: {  	_ =	shalt  }
0x5b: {  	_ =	shalt  }
0x5c: {  	_ =	shalt  }
0x5d: {  	_ =	shalt  }
0x5e: {  	_ =	shalt  }
0x5f: {  	_ =	shalt  }
0x60: {  	_ =	shalt  }
0x61: {  	_ =	shalt  }
0x62: {  	_ =	shalt  }
0x63: {  	_ =	shalt  }
0x64: {  	_ =	shalt  }
0x65: {  	_ =	shalt  }
0x66: {  	_ =	shalt  }
0x67: {  	_ =	shalt  }
0x68: {  	_ =	shalt  }
0x69: {  	_ =	shalt  }
0x6a: {  	_ =	shalt  }
0x6b: {  	_ =	shalt  }
0x6c: {  	_ =	shalt  }
0x6d: {  	_ =	shalt  }
0x6e: {  	_ =	shalt  }
0x6f: {  	_ =	shalt  }
0x70: {  	_ =	shalt  }
0x71: {  	_ =	shalt  }
0x72: {  	_ =	shalt  }
0x73: {  	_ =	shalt  }
0x74: {  	_ =	shalt  }
0x75: {  	_ =	shalt  }
0x76: {  	_ =	shalt  }
0x77: {  	_ =	shalt  }
0x78: {  	_ =	shalt  }
0x79: {  	_ =	shalt  }
0x7a: {  	_ =	shalt  }
0x7b: {  	_ =	shalt  }
0x7c: {  	_ =	shalt  }
0x7d: {  	_ =	shalt  }
0x7e: {  	_ =	shalt  }
0x7f: {  	_ =	shalt  }
0x80: {  	_ =	shalt  }
0x81: {  	_ =	shalt  }
0x82: {  	_ =	shalt  }
0x83: {  	_ =	shalt  }
0x84: {  	_ =	shalt  }
0x85: {  	_ =	shalt  }
0x86: {  	_ =	shalt  }
0x87: {  	_ =	shalt  }
.Lfunc_end0:
.L_simem_size_0:
called_computation.1_lowered:
.L_overlay_start_0:
0x88: {  	s2 =	sld [smem:$0x3FD9]  }
0x89: {  	s3 =	sld [smem:$0x3FFE];
	_ =	sdelay $0x1  }
0x8a: {  	s1 =	srdreg.scid  }
0x8b: {  	s0 =	sand.u32 $0x1, s1  }
0x8c: {  	s17 =	sshll.u32 s0, $0xA;
	s2 =	sadd.s32 s3, s2  }
0x8d: {  	s2 =	sadd.s32 s2, s17  }
0x8e: {  	[smem:$0x3FC4] =	sst s2  }
0x8f: {  	_ = 	snop  }
0x90: {  	s2 =	sld [smem:$0x3FD0];
	(tm) =	ssettm $0x1  }
0x91: {  	s18 =	sld [smem:$0x3FFB];
	_ =	sdelay $0x3  }
0x92: {  	_ =	strace s18  }
0x93: {  	s3 =	sld [smem:$0x3FFC];
	_ =	sdelay $0x3  }
0x94: {  	_ =	strace s3  }
0x95: {  	s3 =	sld [smem:$0x3FFD];
	_ =	sdelay $0x3  }
0x96: {  	_ =	strace s3  }
0x97: {  	_ =	strace $0x8FFFFFFF  }
0x98: {  	s19 =	sld [smem:$0x3FDB];
	_ =	sdelay $0x1  }
0x99: {  	s4 =	simm.s32 $_scs_section_size  }
0x9a: {  	s5 =	simm.s32 $_size__tile_overlayer_lowered;
	s6 =	simm.s32 $_tile_overlayer_lowered  }
0x9b: {  	s22 =	simm.s32 $0x1BFF;
	s21 =	sshll.u32 s6, $0x1;
	s3 =	sadd.s32 s4, s19  }
0x9c: {  	s7 =	simm.s32 $0x0;
	s20 =	sshll.u32 s5, $0x1;
	s5 =	sadd.s32 s21, s3  }
0x9d: {  	[timem:s7], [sflag:s22] =	dma.local [hbm:s5], s20  }
0x9e: {  	_ =	swait.ge [sflag:s22], s20  }
0x9f: {  	s4 =	ssub.s32 $0x0, s20;
	[sflag:s22] =	ssyncset.done $0x0  }
0xa0: {  	[sflag:s22] =	ssyncadd.s32 s4;
	_ =	sdelay $0x1  }
0xa1: {  	s23 =	simm.s32 $0x1B8B  }
0xa2: {  	_ =	swait.ge [sflag:s23], $0x1  }
0xa3: {  	[sflag:s23] =	ssyncset.done $0x0  }
0xa4: {  	s25 =	simm.s32 $0x1B8E;
	s24 =	sld [smem:$0x3FFE];
	[sflag:s23] =	ssyncadd.s32 $0xFFFFFFFF  }
0xa5: {  	s26 =	simm.s32 $execute0_lowered;
	[smem:$0x3FD2] =	sst s25  }
0xa6: {  	s5 =	sshll.u32 s26, $0x1;
	_ =	strace $0x80000049;
	[dreg:$0x1] =	wrdreg $0xFFFFFFFF  }
0xa7: {  	s28 =	simm.s32 $_size_execute0_lowered;
	s3 =	sadd.s32 s3, s5;
	[dreg:$0x0] =	wrdreg $0x0  }
0xa8: {  	s5 =	sshll.u32 s28, $0x1;
	[dreg:$0x2] =	wrdreg s3  }
0xa9: {  	[dreg:$0x3] =	wrdreg s5  }
0xaa: {  	[dreg:$0x4] =	wrdreg $0xC0  }
0xab: {  	_ =	task [dreg:s7], $0x5FFFF  }
0xac: {  	[dreg:$0x1] =	wrdreg $0xFFFFFFFF  }
0xad: {  	[dreg:$0x0] =	wrdreg $0x60  }
0xae: {  	[dreg:$0x2] =	wrdreg s24  }
0xaf: {  	[dreg:$0x3] =	wrdreg s2  }
0xb0: {  	[dreg:$0x4] =	wrdreg $0x41000  }
0xb1: {  	[dreg:$0x5] =	wrdreg $0x9  }
0xb2: {  	_ =	task.clear_ibuf [dreg:s7], $0x6FFFF;
	_ =	strace $0x90000049  }
0xb3: {  	s29 =	simm.s32 $0x9;
	_ =	strace $0x8000004B  }
0xb4: {  	_ =	swait.ge [sflag:s29], $0x1  }
0xb5: {  	[sflag:s29] =	ssyncadd.s32 $0xFFFFFFFF  }
0xb6: {  	_ =	strace $0x9000004B  }
0xb7: {  	_ =	sfence  }
0xb8: {  	s30 =	sld [smem:$0x0];
	_ =	sdelay $0x2  }
0xb9: {  	s31 =	sshll.u32 s1, $0xD;
	s1 =	sshrl.u32 s1, $0x2  }
0xba: {  	s3 =	sand.u32 $0x4000, s31;
	s1 =	sadd.s32 s1, s30  }
0xbb: {  	s0 =	sor.u32 s3, s0;
	s1 =	sshll.u32 s1, $0x11  }
0xbc: {  	s0 =	sor.u32 s1, s0  }
0xbd: {  	s0 =	sadd.s32 $0x8F2B, s0  }
0xbe: {  	[sflag:s0] =	ssyncadd.remote.s32 $0x1  }
0xbf: {  	_ =	sfence.sel $0xFFFF  }
0xc0: {  	[dreg:$0x0] =	wrdreg $0xFFFFFFFF;
	(pc) =	sbr.abs _section_cstart, $3  }
0xc1: {  	[dreg:$0x1] =	wrdreg $0xFFFFFFFF  }
0xc2: {  	_ =	task.clear_ibuf [dreg:s7], $0x2FFFF;
	_ =	strace $0x9FFFFFFF  }
0xc3: {  	(tm) =	ssettm $0x7FFFFFFF  }
tec
execute0_lowered:
.L_overlay_start_1:
0x0: {  	(tag) =	ssettag $0x1  }
0x1: {  	s4 =	rddreg [dreg:$0x0]  }
0x2: {  	s6 =	rddreg [dreg:$0x1]  }
0x3: {  	s1 =	rddreg [dreg:$0x2];
	s2 =	srdreg.scid  }
0x4: {  	s0 =	rddreg [dreg:$0x3];
	s13 =	stileid.u32  }
0x5: {  	s17 =	simm.s32 $0x100;
	s18 =	simm.s32 $0x1;
	s19 =	simm.s32 $0x0  }
0x6: {  	s5 =	sand.u32 $0x1, s2;
	s2 =	simm.s32 $0x0;
	s8 =	smul.u32 $0x4E000, s13  }
0x7: {  	s3 =	sshll.u32 s13, $0x8;
	s10 =	smul.u32 $0x13800, s13;
	s11 =	sadd.s32 $0x3C200, s4  }
0x8: {  	s26 =	sshll.u32 s13, $0x6;
	s16 =	sadd.s32 $0x138000, s1;
	p0 =	slt.u32 s13, $0x2  }
0x9: {  	s7 =	sshll.u32 s5, $0x7;
	[smem:$0x7FF] =	sst s2;
	s24 =	ssub.s32 $0x2, s5  }
0xa: {  	s28 =	smul.u32 $0x138800, s5;
	s5 =	sor.u32 $0x1C02, s26;
	s3 =	sor.u32 s7, s3  }
0xb: {  	_ =	strace $0x8000004A;
	s9 =	sshrl.u32 s24, $0x1;
	s8 =	sshrl.u32 s8, $0x2  }
0xc: {  	s25 =	sshrl.u32 s10, $0x3;
	s7 =	sshrl.u32 s3, $0x3;
	s3 =	sadd.s32 $0x15000, s4  }
0xd: {  	s14 =	ssub.s32 s24, s9;
	s15 =	sadd.s32 s8, s1;
	s29 =	sadd.s32 s10, s28  }
0xe: {  	s30 =	sshrl.u32 s28, $0x3;
	s12 =	sadd.s32 s7, s4;
	s4 =	sadd.s32 s6, s25  }
0xf: {  	s6 =	sadd.s32 $0x27000, s6;
	s7 =	simm.s32 $0x4F;
	s9 =	sshrl.u32 s29, $0x3  }
0x10: {  	s31 =	sadd.s32 s11, s30;
	s10 =	smax.u32 s14, $0x1;
	s14 =	simm.s32 $0x2  }
0x11: {  	s7 =	simm.s32 @!p0 $0x4E;
	s8 =	sadd.s32 s11, s9;
	s9 =	sadd.s32 $0x27000, s31  }
0x12: {  	s11 =	sadd.s32 $0x1400, s12;
	s12 =	sadd.s32 $0xB200, s12;
	p0 =	sne.s32 s13, $0x0  }
0x13: {  	s13 =	sshrl.u32 s15, $0x3;
	s15 =	sshrl.u32 @!p0 s16, $0x3;
	s16 =	simm.s32 $0x80  }
.LBB2_1:
0x14: {  	[spmem:s13], [sflag:s5] =	dma.local [hbm:s4], $0x2700  }
0x15: {  	_ =	swait.ge [sflag:s14], $0x2700  }
0x16: {  	[sflag:s14] =	ssyncset.done $0x0  }
0x17: {  	s20 =	simm.s32 @!p0 $0x2;
	[sflag:s14] =	ssyncadd.s32 $0xFFFFD900  }
0x18: {  	[spmem:s15], [sflag:s5] =	dma.local @!p0 [hbm:s6], $0x100  }
0x19: {  	_ =	swait.ge @!p0 [sflag:s20], $0x100  }
0x1a: {  	[sflag:s20] =	ssyncset.done @!p0 $0x0  }
0x1b: {  	[sflag:s20] =	ssyncadd.s32 @!p0 $0xFFFFFF00  }
0x1c: {  	[bflag:$0x0] =	sbarrier.arrive $0xFFFF  }
0x1d: {  	[tilespmem:s2], [sflag:$0x2] =	stream.linear.gather [hbm4b:s12+s2], $0x80, $0x38;
	[tilespmem:$0x17980] =	vst v63  }
0x1e: {  	_ =	swait.ge [sflag:s14], $0x80  }
0x1f: {  	[sflag:s14] =	ssyncset.done $0x0  }
0x20: {  	[sflag:s14] =	ssyncadd.s32 $0xFFFFFF80  }
0x21: {  	[tilespmem:s16], [sflag:$0x2] =	stream.linear.gather [hbm4b:s11+s2], $0x80, $0x38;
	[tilespmem:$0x17980] =	vst v63  }
0x22: {  	_ =	swait.ge [sflag:s14], $0x80  }
0x23: {  	[sflag:s14] =	ssyncset.done $0x0  }
0x24: {  	[sflag:s14] =	ssyncadd.s32 $0xFFFFFF80  }
0x25: {  	[tilespmem:s17], [sflag:$0x1] =	stream.indirect.gather [hbm4b:s3+s16], $0x80, s2, s16, $0xb8;
	[tilespmem:$0x17980] =	vst v63  }
0x26: {  	p1 =	sne.s32 s7, $0x1;
	_ =	swait.ge [sflag:s18], $0x4000  }
.Ltmp0:
0x27: {  	[sflag:s18] =	ssyncset.done $0x0;
	(pc) =	sbr.rel @!p1 .LBB2_3-.Ltmp0, $4  }
0x28: {  	[sflag:s18] =	ssyncadd.s32 $0xFFFFC000  }
0x29: {  	[spmem:s1] =	stream.indirect.scatter.add.f32 [tilespmem:s17], [sflag:$0x2], $0x80, s16, s16, $0xb8;
	[tilespmem:$0x17980] =	vst v63  }
0x2a: {  	s21 =	sadd.s32 $0xFFFFFFFF, s7;
	_ =	swait.ge [sflag:s14], $0x4000  }
0x2b: {  	s22 =	smov.u32 s11;
	s23 =	smov.u32 s12;
	[sflag:s14] =	ssyncset.done $0x0  }
.LBB2_2:
0x2c: {  	[sflag:s14] =	ssyncadd.s32 $0xFFFFC000;
	s22 =	sadd.s32 $0x200, s22;
	s23 =	sadd.s32 $0x200, s23  }
0x2d: {  	[tilespmem:s2], [sflag:$0x2] =	stream.linear.gather [hbm4b:s23+s2], $0x80, $0x38;
	[tilespmem:$0x17980] =	vst v63  }
0x2e: {  	p1 =	sne.s32 s21, $0x1;
	s21 =	sadd.s32 $0xFFFFFFFF, s21;
	_ =	swait.ge [sflag:s14], $0x80  }
0x2f: {  	[sflag:s14] =	ssyncset.done $0x0  }
0x30: {  	[sflag:s14] =	ssyncadd.s32 $0xFFFFFF80  }
0x31: {  	[tilespmem:s16], [sflag:$0x2] =	stream.linear.gather [hbm4b:s22+s2], $0x80, $0x38;
	[tilespmem:$0x17980] =	vst v63  }
0x32: {  	_ =	swait.ge [sflag:s14], $0x80  }
0x33: {  	[sflag:s14] =	ssyncset.done $0x0  }
0x34: {  	[sflag:s14] =	ssyncadd.s32 $0xFFFFFF80  }
0x35: {  	[tilespmem:s17], [sflag:$0x1] =	stream.indirect.gather [hbm4b:s3+s16], $0x80, s2, s16, $0xb8;
	[tilespmem:$0x17980] =	vst v63  }
0x36: {  	_ =	swait.ge [sflag:s18], $0x4000  }
.Ltmp1:
0x37: {  	[sflag:s18] =	ssyncset.done $0x0;
	(pc) =	sbr.rel @p1 .LBB2_2-.Ltmp1, $4  }
0x38: {  	[sflag:s18] =	ssyncadd.s32 $0xFFFFC000  }
0x39: {  	[spmem:s1] =	stream.indirect.scatter.add.f32 [tilespmem:s17], [sflag:$0x2], $0x80, s16, s16, $0xb8;
	[tilespmem:$0x17980] =	vst v63  }
0x3a: {  	_ =	swait.ge [sflag:s14], $0x4000  }
0x3b: {  	[sflag:s14] =	ssyncset.done $0x0  }
.LBB2_3:
0x3c: {  	[sflag:s14] =	ssyncadd.s32 $0xFFFFC000  }
0x3d: {  	[bflag:$0x0] =	sbarrier.arrive $0xFFFF  }
0x3e: {  	[hbm:s8], [sflag:s5] =	dma.local [spmem:s13], $0x2700  }
0x3f: {  	s19 =	sadd.s32 $0x1, s19;
	_ =	swait.ge [sflag:s14], $0x2700  }
0x40: {  	p1 =	sne.s32 s19, s10;
	[sflag:s14] =	ssyncset.done $0x0  }
.Ltmp2:
0x41: {  	[sflag:s14] =	ssyncadd.s32 $0xFFFFD900;
	(pc) =	sbr.rel @p1 .LBB2_1-.Ltmp2, $4  }
0x42: {  	[hbm:s9], [sflag:s5] =	dma.local @!p0 [spmem:s15], $0x100  }
0x43: {  	_ =	swait.ge @!p0 [sflag:s20], $0x100  }
0x44: {  	[sflag:s20] =	ssyncset.done @!p0 $0x0  }
0x45: {  	[sflag:s20] =	ssyncadd.s32 @!p0 $0xFFFFFF00  }
0x46: {  	_ =	sfence.sel $0x180000  }
0x47: {  	[bflag:$0x0] =	sbarrier.arrive $0xFFFF  }
0x48: {  	_ =	strace $0x9000004A  }
0x49: {  	s0 =	sadd.s32 @!p0 $0x100000, s0;
	[bflag:$0x2] =	sbarrier.arrive $0xFFFF  }
0x4a: {  	[sflag:s0] =	ssyncadd.tile.s32 @!p0 $0x1;
	_ =	shalt  }
.Lfunc_end2:
_tile_overlayer_lowered:
.L_overlay_start_2:
0x4b: {  	(tag) =	ssettag $0x2  }
0x4c: {  	s0 =	rddreg [dreg:$0x0];
	s2 =	stileid.u32  }
0x4d: {  	s1 =	rddreg [dreg:$0x1];
	p0 =	sne.s32 s2, $0x0  }
0x4e: {  	s3 =	rddreg [dreg:$0x2];
	[bflag:$0x3] =	sbarrier.arrive $0xFFFF;
	s2 =	simm.s32 @!p0 $0x1C02  }
0x4f: {  	[timem:s3], [sflag:s2] =	dma.local @!p0 [hbm:s0], s1  }
0x50: {  	s0 =	simm.s32 @!p0 $0x2  }
0x51: {  	_ =	swait.ge @!p0 [sflag:s0], s1  }
0x52: {  	s1 =	ssub.s32 @!p0 $0x0, s1;
	[sflag:s0] =	ssyncset.done @!p0 $0x0  }
0x53: {  	[sflag:s0] =	ssyncadd.s32 @!p0 s1  }
0x54: {  	[bflag:$0x3] =	sbarrier.arrive $0xFFFF  }
0x55: {  	_ =	shalt  }

</sc_bundles>
